<compile_context>
chip_gen: v7x
topology: tpu7x:2x2x1
jax: 0.10.2.dev20260603
libtpu: 0.0.44.dev20260713+nightly
codegen_flags: <defaults>
</compile_context>

<pallas_src>
import functools
import jax
import jax.numpy as jnp
from jax import lax
from jax.experimental import pallas as pl
from jax.experimental.pallas import tpu as pltpu
from jax.experimental.pallas import tpu_sc as plsc

_NUM_EXPERTS = 8
_BLOCK_ROWS = 4096
_N_TOKENS = 32768
_SC_CORES = 2
_SC_SUBCORES = 16
_SC_WORKERS = _SC_CORES * _SC_SUBCORES
_TOK_PER_W = _N_TOKENS // 2 // _SC_WORKERS
_VALS_PER_W = _TOK_PER_W * _NUM_EXPERTS


def _logits_block(hs_ref, wt_ref, bias_ref, out_ref):
    x = hs_ref[...]
    wt = wt_ref[...]
    out_ref[...] = jax.lax.dot_general(
        x, wt, (((1,), (0,)), ((), ())),
        preferred_element_type=jnp.float32,
    ) + bias_ref[...]


def _tc_logits(hs, weight, bias):
    n, hidden = hs.shape
    e = weight.shape[0]
    return pl.pallas_call(
        _logits_block,
        grid=(n // _BLOCK_ROWS,),
        in_specs=[
            pl.BlockSpec((_BLOCK_ROWS, hidden), lambda i: (i, 0)),
            pl.BlockSpec((hidden, e), lambda i: (0, 0)),
            pl.BlockSpec((1, e), lambda i: (0, 0)),
        ],
        out_specs=pl.BlockSpec((_BLOCK_ROWS, e), lambda i: (i, 0)),
        out_shape=jax.ShapeDtypeStruct((n, e), jnp.float32),
        compiler_params=pltpu.CompilerParams(
            dimension_semantics=("arbitrary",),
        ),
    )(hs, weight.T, bias.reshape(1, e))


_sc_mesh = plsc.VectorSubcoreMesh(
    core_axis_name="c", subcore_axis_name="s",
    num_cores=_SC_CORES, num_subcores=_SC_SUBCORES)


@functools.partial(
    pl.kernel,
    out_type=[
        jax.ShapeDtypeStruct((_N_TOKENS // 2 * _NUM_EXPERTS,), jnp.float32),
        jax.ShapeDtypeStruct((_N_TOKENS,), jnp.int32),
    ],
    mesh=_sc_mesh,
    compiler_params=pltpu.CompilerParams(needs_layout_passes=False),
    scratch_types=[
        pltpu.VMEM((_VALS_PER_W,), jnp.float32),
        pltpu.VMEM((_VALS_PER_W,), jnp.float32),
        pltpu.VMEM((_TOK_PER_W * 2,), jnp.int32),
    ],
)
def _sc_topk(logits_hbm, scores_hbm, idx_hbm, in_v, sc_v, ix_v):
    wid = lax.axis_index("s") * _SC_CORES + lax.axis_index("c")
    base = wid * _VALS_PER_W
    pltpu.sync_copy(logits_hbm.at[pl.ds(base, _VALS_PER_W)], in_v)
    tok16 = lax.iota(jnp.int32, 16)

    def body(g, carry):
        addr = g * 128 + tok16 * _NUM_EXPERTS
        keys = []
        for e in range(_NUM_EXPERTS):
            l = plsc.load_gather(in_v, [addr + e])
            b = lax.bitcast_convert_type(l, jnp.int32)
            keys.append(
                lax.bitcast_convert_type((b & -8) | (7 - e), jnp.float32))
        m1 = keys[0]
        for e in range(1, _NUM_EXPERTS):
            m1 = jnp.maximum(m1, keys[e])
        neginf = jnp.full((16,), -jnp.inf, jnp.float32)
        m2 = jnp.where(keys[0] == m1, neginf, keys[0])
        for e in range(1, _NUM_EXPERTS):
            m2 = jnp.maximum(m2, jnp.where(keys[e] == m1, neginf, keys[e]))
        m1b = lax.bitcast_convert_type(m1, jnp.int32)
        m2b = lax.bitcast_convert_type(m2, jnp.int32)
        v1 = lax.bitcast_convert_type(m1b & -8, jnp.float32)
        v2 = lax.bitcast_convert_type(m2b & -8, jnp.float32)
        z = jnp.exp(v2 - v1)
        s1 = 1.0 / (1.0 + z)
        s2 = z * s1
        zero = jnp.zeros((16,), jnp.float32)
        for e in range(_NUM_EXPERTS):
            sc = jnp.where(keys[e] == m1, s1,
                           jnp.where(keys[e] == m2, s2, zero))
            plsc.store_scatter(sc_v, [addr + e], sc)
        iaddr = g * 32 + tok16 * 2
        plsc.store_scatter(ix_v, [iaddr], 7 - (m1b & 7))
        plsc.store_scatter(ix_v, [iaddr + 1], 7 - (m2b & 7))
        return carry

    lax.fori_loop(0, _TOK_PER_W // 16, body, 0)
    pltpu.sync_copy(sc_v, scores_hbm.at[pl.ds(base, _VALS_PER_W)])
    pltpu.sync_copy(ix_v, idx_hbm.at[pl.ds(wid * _TOK_PER_W * 2,
                                           _TOK_PER_W * 2)])


@jax.jit
def kernel(hidden_states, weight, bias):
    hidden = weight.shape[1]
    hs = hidden_states.reshape(-1, hidden)
    n = hs.shape[0]
    e = weight.shape[0]
    half = n // 2
    out = []
    for h in range(2):
        logits = _tc_logits(hs[h * half:(h + 1) * half], weight, bias)
        out.append(_sc_topk(logits.reshape(-1)))
    scores = jnp.concatenate([o[0].reshape(half, e) for o in out], axis=0)
    idx = jnp.concatenate([o[1].reshape(half, 2) for o in out], axis=0)
    return scores, idx

# --- scband reference (transcript-rebuilt; emitter-appended) ---
"""Pipeline reference for scband-reference-top-krouter-16217796509890 (READ-ONLY COPY).

The authoritative reference and input builder live on the scoring server;
editing this copy changes nothing except your own understanding.
"""

import jax, jax.numpy as jnp
import numpy as np

TOP_K = 2
NUM_EXPERTS = 8
HIDDEN = 768

def setup_inputs(seed: int = 0) -> dict:
    key = jax.random.key(seed)
    k1, k2, k3 = jax.random.split(key, 3)
    hidden_states = jax.random.normal(k1, (4, 8192, HIDDEN), dtype=jnp.float32)
    weight = jax.random.normal(k2, (NUM_EXPERTS, HIDDEN), dtype=jnp.float32)
    bias = jax.random.normal(k3, (NUM_EXPERTS,), dtype=jnp.float32)
    return {"hidden_states": hidden_states, "weight": weight, "bias": bias}

def reference(hidden_states, weight, bias):
    hs = hidden_states.reshape(-1, weight.shape[1])
    router_logits = hs @ weight.T + bias
    router_top_value, router_indices = jax.lax.top_k(router_logits, TOP_K)
    router_top_value = jax.nn.softmax(router_top_value, axis=1)
    rows = jnp.arange(router_logits.shape[0])[:, None]
    router_scores = jnp.zeros_like(router_logits).at[rows, router_indices].set(router_top_value)
    return (router_scores, router_indices)

if __name__ == "__main__":
    import jax
    _d = setup_inputs()
    print(jax.jit(kernel)(*tuple(_d.values())))

</pallas_src>

<mosaic_0001>
#map = affine_map<(d0, d1) -> (0)>
module attributes {stable_mosaic.version = 14 : i64} {
  func.func @_sc_topk(%arg0: i32, %arg1: i32, %arg2: memref<131072xf32, #tpu.memory_space<hbm>>, %arg3: memref<131072xf32, #tpu.memory_space<hbm>>, %arg4: memref<32768xi32, #tpu.memory_space<hbm>>, %arg5: memref<4096xf32, #tpu.memory_space<vmem>>, %arg6: memref<4096xf32, #tpu.memory_space<vmem>>, %arg7: memref<1024xi32, #tpu.memory_space<vmem>>) attributes {dimension_semantics = [#tpu.dimension_semantics<core_parallel>, #tpu.dimension_semantics<subcore_parallel>], iteration_bounds = array<i64: 2, 16>, scalar_prefetch = 0 : i64, scratch_operands = 3 : i64, tpu.core_type = #tpu.core_type<sc_vector_subcore>, window_params = [{transform_indices = #map}, {transform_indices = #map}, {transform_indices = #map}]} {
    %mul3A = arith.constant 2 : i32
    %mul3A_0 = arith.muli %arg1, %mul3A : i32
    %add3A = arith.addi %mul3A_0, %arg0 : i32
    %mul3A_1 = arith.constant 4096 : i32
    %mul3A_2 = arith.muli %add3A, %mul3A_1 : i32
    "tpu.region"() ({
      %run_scoped3A = tpu.sem_alloc : memref<!tpu.dma_semaphore, #tpu.memory_space<semaphore_mem>>
      %dma_start3A = tpu.memref_slice %arg2[%mul3A_2] : memref<131072xf32, #tpu.memory_space<hbm>> -> memref<4096xf32, #tpu.memory_space<hbm>>
      %dma_start3A_12 = tpu.memref_slice %arg2[%mul3A_2] : memref<131072xf32, #tpu.memory_space<hbm>> -> memref<4096xf32, #tpu.memory_space<hbm>>
      tpu.enqueue_dma source(%dma_start3A_12 : memref<4096xf32, #tpu.memory_space<hbm>>) target(%arg5 : memref<4096xf32, #tpu.memory_space<vmem>>) target_semaphore(%run_scoped3A : memref<!tpu.dma_semaphore, #tpu.memory_space<semaphore_mem>>)
      %dma_wait3A = tpu.memref_slice %arg2[%mul3A_2] : memref<131072xf32, #tpu.memory_space<hbm>> -> memref<4096xf32, #tpu.memory_space<hbm>>
      %dma_wait3A_13 = tpu.memref_slice %arg2[%mul3A_2] : memref<131072xf32, #tpu.memory_space<hbm>> -> memref<4096xf32, #tpu.memory_space<hbm>>
      tpu.wait_dma2 semaphore(%run_scoped3A : memref<!tpu.dma_semaphore, #tpu.memory_space<semaphore_mem>>) src(%dma_wait3A_13 : memref<4096xf32, #tpu.memory_space<hbm>>) dst(%arg5 : memref<4096xf32, #tpu.memory_space<vmem>>)
      tpu.yield
    }) : () -> ()
    %iota3A = tpu.iota {dimensions = array<i32: 0>} : vector<16xi32>
    %scan3A = arith.constant 0 : i32
    %scan3A_3 = arith.constant 0 : i32
    %scan3A_4 = arith.constant 32 : i32
    %scan3A_5 = arith.addi %scan3A_3, %scan3A_4 : i32
    %scan3A_6 = arith.constant 1 : i32
    scf.for %scan3A_12 = %scan3A_3 to %scan3A_5 step %scan3A_6  : i32 {
      %mul3A_13 = arith.constant 128 : i32
      %mul3A_14 = arith.muli %scan3A_12, %mul3A_13 : i32
      %mul3A_15 = arith.constant 8 : i32
      %mul3A_16 = vector.broadcast %mul3A_15 : i32 to vector<16xi32>
      %mul3A_17 = arith.muli %iota3A, %mul3A_16 : vector<16xi32>
      %add3A_18 = vector.broadcast %mul3A_14 : i32 to vector<16xi32>
      %add3A_19 = arith.addi %add3A_18, %mul3A_17 : vector<16xi32>
      %add3A_20 = arith.constant 0 : i32
      %add3A_21 = vector.broadcast %add3A_20 : i32 to vector<16xi32>
      %add3A_22 = arith.addi %add3A_19, %add3A_21 : vector<16xi32>
      %gather3A = tpu.vector_load_idx %arg5[%add3A_22] : memref<4096xf32, #tpu.memory_space<vmem>>[vector<16xi32>], vector<16xf32>,
      %bitcast_convert_type3A = tpu.bitcast %gather3A : vector<16xf32> -> vector<16xi32>
      %and3A = arith.constant -8 : i32
      %and3A_23 = vector.broadcast %and3A : i32 to vector<16xi32>
      %and3A_24 = arith.andi %bitcast_convert_type3A, %and3A_23 : vector<16xi32>
      %or3A = arith.constant 7 : i32
      %or3A_25 = vector.broadcast %or3A : i32 to vector<16xi32>
      %or3A_26 = arith.ori %and3A_24, %or3A_25 : vector<16xi32>
      %bitcast_convert_type3A_27 = tpu.bitcast %or3A_26 : vector<16xi32> -> vector<16xf32>
      %add3A_28 = arith.constant 1 : i32
      %add3A_29 = vector.broadcast %add3A_28 : i32 to vector<16xi32>
      %add3A_30 = arith.addi %add3A_19, %add3A_29 : vector<16xi32>
      %gather3A_31 = tpu.vector_load_idx %arg5[%add3A_30] : memref<4096xf32, #tpu.memory_space<vmem>>[vector<16xi32>], vector<16xf32>,
      %bitcast_convert_type3A_32 = tpu.bitcast %gather3A_31 : vector<16xf32> -> vector<16xi32>
      %and3A_33 = arith.constant -8 : i32
      %and3A_34 = vector.broadcast %and3A_33 : i32 to vector<16xi32>
      %and3A_35 = arith.andi %bitcast_convert_type3A_32, %and3A_34 : vector<16xi32>
      %or3A_36 = arith.constant 6 : i32
      %or3A_37 = vector.broadcast %or3A_36 : i32 to vector<16xi32>
      %or3A_38 = arith.ori %and3A_35, %or3A_37 : vector<16xi32>
      %bitcast_convert_type3A_39 = tpu.bitcast %or3A_38 : vector<16xi32> -> vector<16xf32>
      %add3A_40 = arith.constant 2 : i32
      %add3A_41 = vector.broadcast %add3A_40 : i32 to vector<16xi32>
      %add3A_42 = arith.addi %add3A_19, %add3A_41 : vector<16xi32>
      %gather3A_43 = tpu.vector_load_idx %arg5[%add3A_42] : memref<4096xf32, #tpu.memory_space<vmem>>[vector<16xi32>], vector<16xf32>,
      %bitcast_convert_type3A_44 = tpu.bitcast %gather3A_43 : vector<16xf32> -> vector<16xi32>
      %and3A_45 = arith.constant -8 : i32
      %and3A_46 = vector.broadcast %and3A_45 : i32 to vector<16xi32>
      %and3A_47 = arith.andi %bitcast_convert_type3A_44, %and3A_46 : vector<16xi32>
      %or3A_48 = arith.constant 5 : i32
      %or3A_49 = vector.broadcast %or3A_48 : i32 to vector<16xi32>
      %or3A_50 = arith.ori %and3A_47, %or3A_49 : vector<16xi32>
      %bitcast_convert_type3A_51 = tpu.bitcast %or3A_50 : vector<16xi32> -> vector<16xf32>
      %add3A_52 = arith.constant 3 : i32
      %add3A_53 = vector.broadcast %add3A_52 : i32 to vector<16xi32>
      %add3A_54 = arith.addi %add3A_19, %add3A_53 : vector<16xi32>
      %gather3A_55 = tpu.vector_load_idx %arg5[%add3A_54] : memref<4096xf32, #tpu.memory_space<vmem>>[vector<16xi32>], vector<16xf32>,
      %bitcast_convert_type3A_56 = tpu.bitcast %gather3A_55 : vector<16xf32> -> vector<16xi32>
      %and3A_57 = arith.constant -8 : i32
      %and3A_58 = vector.broadcast %and3A_57 : i32 to vector<16xi32>
      %and3A_59 = arith.andi %bitcast_convert_type3A_56, %and3A_58 : vector<16xi32>
      %or3A_60 = arith.constant 4 : i32
      %or3A_61 = vector.broadcast %or3A_60 : i32 to vector<16xi32>
      %or3A_62 = arith.ori %and3A_59, %or3A_61 : vector<16xi32>
      %bitcast_convert_type3A_63 = tpu.bitcast %or3A_62 : vector<16xi32> -> vector<16xf32>
      %add3A_64 = arith.constant 4 : i32
      %add3A_65 = vector.broadcast %add3A_64 : i32 to vector<16xi32>
      %add3A_66 = arith.addi %add3A_19, %add3A_65 : vector<16xi32>
      %gather3A_67 = tpu.vector_load_idx %arg5[%add3A_66] : memref<4096xf32, #tpu.memory_space<vmem>>[vector<16xi32>], vector<16xf32>,
      %bitcast_convert_type3A_68 = tpu.bitcast %gather3A_67 : vector<16xf32> -> vector<16xi32>
      %and3A_69 = arith.constant -8 : i32
      %and3A_70 = vector.broadcast %and3A_69 : i32 to vector<16xi32>
      %and3A_71 = arith.andi %bitcast_convert_type3A_68, %and3A_70 : vector<16xi32>
      %or3A_72 = arith.constant 3 : i32
      %or3A_73 = vector.broadcast %or3A_72 : i32 to vector<16xi32>
      %or3A_74 = arith.ori %and3A_71, %or3A_73 : vector<16xi32>
      %bitcast_convert_type3A_75 = tpu.bitcast %or3A_74 : vector<16xi32> -> vector<16xf32>
      %add3A_76 = arith.constant 5 : i32
      %add3A_77 = vector.broadcast %add3A_76 : i32 to vector<16xi32>
      %add3A_78 = arith.addi %add3A_19, %add3A_77 : vector<16xi32>
      %gather3A_79 = tpu.vector_load_idx %arg5[%add3A_78] : memref<4096xf32, #tpu.memory_space<vmem>>[vector<16xi32>], vector<16xf32>,
      %bitcast_convert_type3A_80 = tpu.bitcast %gather3A_79 : vector<16xf32> -> vector<16xi32>
      %and3A_81 = arith.constant -8 : i32
      %and3A_82 = vector.broadcast %and3A_81 : i32 to vector<16xi32>
      %and3A_83 = arith.andi %bitcast_convert_type3A_80, %and3A_82 : vector<16xi32>
      %or3A_84 = arith.constant 2 : i32
      %or3A_85 = vector.broadcast %or3A_84 : i32 to vector<16xi32>
      %or3A_86 = arith.ori %and3A_83, %or3A_85 : vector<16xi32>
      %bitcast_convert_type3A_87 = tpu.bitcast %or3A_86 : vector<16xi32> -> vector<16xf32>
      %add3A_88 = arith.constant 6 : i32
      %add3A_89 = vector.broadcast %add3A_88 : i32 to vector<16xi32>
      %add3A_90 = arith.addi %add3A_19, %add3A_89 : vector<16xi32>
      %gather3A_91 = tpu.vector_load_idx %arg5[%add3A_90] : memref<4096xf32, #tpu.memory_space<vmem>>[vector<16xi32>], vector<16xf32>,
      %bitcast_convert_type3A_92 = tpu.bitcast %gather3A_91 : vector<16xf32> -> vector<16xi32>
      %and3A_93 = arith.constant -8 : i32
      %and3A_94 = vector.broadcast %and3A_93 : i32 to vector<16xi32>
      %and3A_95 = arith.andi %bitcast_convert_type3A_92, %and3A_94 : vector<16xi32>
      %or3A_96 = arith.constant 1 : i32
      %or3A_97 = vector.broadcast %or3A_96 : i32 to vector<16xi32>
      %or3A_98 = arith.ori %and3A_95, %or3A_97 : vector<16xi32>
      %bitcast_convert_type3A_99 = tpu.bitcast %or3A_98 : vector<16xi32> -> vector<16xf32>
      %add3A_100 = arith.constant 7 : i32
      %add3A_101 = vector.broadcast %add3A_100 : i32 to vector<16xi32>
      %add3A_102 = arith.addi %add3A_19, %add3A_101 : vector<16xi32>
      %gather3A_103 = tpu.vector_load_idx %arg5[%add3A_102] : memref<4096xf32, #tpu.memory_space<vmem>>[vector<16xi32>], vector<16xf32>,
      %bitcast_convert_type3A_104 = tpu.bitcast %gather3A_103 : vector<16xf32> -> vector<16xi32>
      %and3A_105 = arith.constant -8 : i32
      %and3A_106 = vector.broadcast %and3A_105 : i32 to vector<16xi32>
      %and3A_107 = arith.andi %bitcast_convert_type3A_104, %and3A_106 : vector<16xi32>
      %or3A_108 = arith.constant 0 : i32
      %or3A_109 = vector.broadcast %or3A_108 : i32 to vector<16xi32>
      %or3A_110 = arith.ori %and3A_107, %or3A_109 : vector<16xi32>
      %bitcast_convert_type3A_111 = tpu.bitcast %or3A_110 : vector<16xi32> -> vector<16xf32>
      %max3A = arith.maximumf %bitcast_convert_type3A_27, %bitcast_convert_type3A_39 : vector<16xf32>
      %max3A_112 = arith.maximumf %max3A, %bitcast_convert_type3A_51 : vector<16xf32>
      %max3A_113 = arith.maximumf %max3A_112, %bitcast_convert_type3A_63 : vector<16xf32>
      %max3A_114 = arith.maximumf %max3A_113, %bitcast_convert_type3A_75 : vector<16xf32>
      %max3A_115 = arith.maximumf %max3A_114, %bitcast_convert_type3A_87 : vector<16xf32>
      %max3A_116 = arith.maximumf %max3A_115, %bitcast_convert_type3A_99 : vector<16xf32>
      %max3A_117 = arith.maximumf %max3A_116, %bitcast_convert_type3A_111 : vector<16xf32>
      %broadcast_in_dim3A = arith.constant 0xFF800000 : f32
      %broadcast_in_dim3A_118 = vector.broadcast %broadcast_in_dim3A : f32 to vector<16xf32>
      %eq3A = arith.cmpf oeq, %bitcast_convert_type3A_27, %max3A_117 : vector<16xf32>
      %select_n3A = arith.select %eq3A, %broadcast_in_dim3A_118, %bitcast_convert_type3A_27 : vector<16xi1>, vector<16xf32>
      %eq3A_119 = arith.cmpf oeq, %bitcast_convert_type3A_39, %max3A_117 : vector<16xf32>
      %select_n3A_120 = arith.select %eq3A_119, %broadcast_in_dim3A_118, %bitcast_convert_type3A_39 : vector<16xi1>, vector<16xf32>
      %max3A_121 = arith.maximumf %select_n3A, %select_n3A_120 : vector<16xf32>
      %eq3A_122 = arith.cmpf oeq, %bitcast_convert_type3A_51, %max3A_117 : vector<16xf32>
      %select_n3A_123 = arith.select %eq3A_122, %broadcast_in_dim3A_118, %bitcast_convert_type3A_51 : vector<16xi1>, vector<16xf32>
      %max3A_124 = arith.maximumf %max3A_121, %select_n3A_123 : vector<16xf32>
      %eq3A_125 = arith.cmpf oeq, %bitcast_convert_type3A_63, %max3A_117 : vector<16xf32>
      %select_n3A_126 = arith.select %eq3A_125, %broadcast_in_dim3A_118, %bitcast_convert_type3A_63 : vector<16xi1>, vector<16xf32>
      %max3A_127 = arith.maximumf %max3A_124, %select_n3A_126 : vector<16xf32>
      %eq3A_128 = arith.cmpf oeq, %bitcast_convert_type3A_75, %max3A_117 : vector<16xf32>
      %select_n3A_129 = arith.select %eq3A_128, %broadcast_in_dim3A_118, %bitcast_convert_type3A_75 : vector<16xi1>, vector<16xf32>
      %max3A_130 = arith.maximumf %max3A_127, %select_n3A_129 : vector<16xf32>
      %eq3A_131 = arith.cmpf oeq, %bitcast_convert_type3A_87, %max3A_117 : vector<16xf32>
      %select_n3A_132 = arith.select %eq3A_131, %broadcast_in_dim3A_118, %bitcast_convert_type3A_87 : vector<16xi1>, vector<16xf32>
      %max3A_133 = arith.maximumf %max3A_130, %select_n3A_132 : vector<16xf32>
      %eq3A_134 = arith.cmpf oeq, %bitcast_convert_type3A_99, %max3A_117 : vector<16xf32>
      %select_n3A_135 = arith.select %eq3A_134, %broadcast_in_dim3A_118, %bitcast_convert_type3A_99 : vector<16xi1>, vector<16xf32>
      %max3A_136 = arith.maximumf %max3A_133, %select_n3A_135 : vector<16xf32>
      %eq3A_137 = arith.cmpf oeq, %bitcast_convert_type3A_111, %max3A_117 : vector<16xf32>
      %select_n3A_138 = arith.select %eq3A_137, %broadcast_in_dim3A_118, %bitcast_convert_type3A_111 : vector<16xi1>, vector<16xf32>
      %max3A_139 = arith.maximumf %max3A_136, %select_n3A_138 : vector<16xf32>
      %bitcast_convert_type3A_140 = tpu.bitcast %max3A_117 : vector<16xf32> -> vector<16xi32>
      %bitcast_convert_type3A_141 = tpu.bitcast %max3A_139 : vector<16xf32> -> vector<16xi32>
      %and3A_142 = arith.constant -8 : i32
      %and3A_143 = vector.broadcast %and3A_142 : i32 to vector<16xi32>
      %and3A_144 = arith.andi %bitcast_convert_type3A_140, %and3A_143 : vector<16xi32>
      %bitcast_convert_type3A_145 = tpu.bitcast %and3A_144 : vector<16xi32> -> vector<16xf32>
      %and3A_146 = arith.constant -8 : i32
      %and3A_147 = vector.broadcast %and3A_146 : i32 to vector<16xi32>
      %and3A_148 = arith.andi %bitcast_convert_type3A_141, %and3A_147 : vector<16xi32>
      %bitcast_convert_type3A_149 = tpu.bitcast %and3A_148 : vector<16xi32> -> vector<16xf32>
      %sub3A = arith.subf %bitcast_convert_type3A_149, %bitcast_convert_type3A_145 : vector<16xf32>
      %exp3A = math.exp %sub3A : vector<16xf32>
      %add3A_150 = arith.constant 1.000000e+00 : f32
      %add3A_151 = vector.broadcast %add3A_150 : f32 to vector<16xf32>
      %add3A_152 = arith.addf %add3A_151, %exp3A : vector<16xf32>
      %div3A = arith.constant 1.000000e+00 : f32
      %div3A_153 = vector.broadcast %div3A : f32 to vector<16xf32>
      %div3A_154 = arith.divf %div3A_153, %add3A_152 : vector<16xf32>
      %mul3A_155 = arith.mulf %exp3A, %div3A_154 : vector<16xf32>
      %broadcast_in_dim3A_156 = arith.constant 0.000000e+00 : f32
      %broadcast_in_dim3A_157 = vector.broadcast %broadcast_in_dim3A_156 : f32 to vector<16xf32>
      %eq3A_158 = arith.cmpf oeq, %bitcast_convert_type3A_27, %max3A_117 : vector<16xf32>
      %eq3A_159 = arith.cmpf oeq, %bitcast_convert_type3A_27, %max3A_139 : vector<16xf32>
      %select_n3A_160 = arith.select %eq3A_159, %mul3A_155, %broadcast_in_dim3A_157 : vector<16xi1>, vector<16xf32>
      %select_n3A_161 = arith.select %eq3A_158, %div3A_154, %select_n3A_160 : vector<16xi1>, vector<16xf32>
      %add3A_162 = arith.constant 0 : i32
      %add3A_163 = vector.broadcast %add3A_162 : i32 to vector<16xi32>
      %add3A_164 = arith.addi %add3A_19, %add3A_163 : vector<16xi32>
      tpu.vector_store_idx %arg6[%add3A_164], %select_n3A_161 : memref<4096xf32, #tpu.memory_space<vmem>>[vector<16xi32>], vector<16xf32>,
      %eq3A_165 = arith.cmpf oeq, %bitcast_convert_type3A_39, %max3A_117 : vector<16xf32>
      %eq3A_166 = arith.cmpf oeq, %bitcast_convert_type3A_39, %max3A_139 : vector<16xf32>
      %select_n3A_167 = arith.select %eq3A_166, %mul3A_155, %broadcast_in_dim3A_157 : vector<16xi1>, vector<16xf32>
      %select_n3A_168 = arith.select %eq3A_165, %div3A_154, %select_n3A_167 : vector<16xi1>, vector<16xf32>
      %add3A_169 = arith.constant 1 : i32
      %add3A_170 = vector.broadcast %add3A_169 : i32 to vector<16xi32>
      %add3A_171 = arith.addi %add3A_19, %add3A_170 : vector<16xi32>
      tpu.vector_store_idx %arg6[%add3A_171], %select_n3A_168 : memref<4096xf32, #tpu.memory_space<vmem>>[vector<16xi32>], vector<16xf32>,
      %eq3A_172 = arith.cmpf oeq, %bitcast_convert_type3A_51, %max3A_117 : vector<16xf32>
      %eq3A_173 = arith.cmpf oeq, %bitcast_convert_type3A_51, %max3A_139 : vector<16xf32>
      %select_n3A_174 = arith.select %eq3A_173, %mul3A_155, %broadcast_in_dim3A_157 : vector<16xi1>, vector<16xf32>
      %select_n3A_175 = arith.select %eq3A_172, %div3A_154, %select_n3A_174 : vector<16xi1>, vector<16xf32>
      %add3A_176 = arith.constant 2 : i32
      %add3A_177 = vector.broadcast %add3A_176 : i32 to vector<16xi32>
      %add3A_178 = arith.addi %add3A_19, %add3A_177 : vector<16xi32>
      tpu.vector_store_idx %arg6[%add3A_178], %select_n3A_175 : memref<4096xf32, #tpu.memory_space<vmem>>[vector<16xi32>], vector<16xf32>,
      %eq3A_179 = arith.cmpf oeq, %bitcast_convert_type3A_63, %max3A_117 : vector<16xf32>
      %eq3A_180 = arith.cmpf oeq, %bitcast_convert_type3A_63, %max3A_139 : vector<16xf32>
      %select_n3A_181 = arith.select %eq3A_180, %mul3A_155, %broadcast_in_dim3A_157 : vector<16xi1>, vector<16xf32>
      %select_n3A_182 = arith.select %eq3A_179, %div3A_154, %select_n3A_181 : vector<16xi1>, vector<16xf32>
      %add3A_183 = arith.constant 3 : i32
      %add3A_184 = vector.broadcast %add3A_183 : i32 to vector<16xi32>
      %add3A_185 = arith.addi %add3A_19, %add3A_184 : vector<16xi32>
      tpu.vector_store_idx %arg6[%add3A_185], %select_n3A_182 : memref<4096xf32, #tpu.memory_space<vmem>>[vector<16xi32>], vector<16xf32>,
      %eq3A_186 = arith.cmpf oeq, %bitcast_convert_type3A_75, %max3A_117 : vector<16xf32>
      %eq3A_187 = arith.cmpf oeq, %bitcast_convert_type3A_75, %max3A_139 : vector<16xf32>
      %select_n3A_188 = arith.select %eq3A_187, %mul3A_155, %broadcast_in_dim3A_157 : vector<16xi1>, vector<16xf32>
      %select_n3A_189 = arith.select %eq3A_186, %div3A_154, %select_n3A_188 : vector<16xi1>, vector<16xf32>
      %add3A_190 = arith.constant 4 : i32
      %add3A_191 = vector.broadcast %add3A_190 : i32 to vector<16xi32>
      %add3A_192 = arith.addi %add3A_19, %add3A_191 : vector<16xi32>
      tpu.vector_store_idx %arg6[%add3A_192], %select_n3A_189 : memref<4096xf32, #tpu.memory_space<vmem>>[vector<16xi32>], vector<16xf32>,
      %eq3A_193 = arith.cmpf oeq, %bitcast_convert_type3A_87, %max3A_117 : vector<16xf32>
      %eq3A_194 = arith.cmpf oeq, %bitcast_convert_type3A_87, %max3A_139 : vector<16xf32>
      %select_n3A_195 = arith.select %eq3A_194, %mul3A_155, %broadcast_in_dim3A_157 : vector<16xi1>, vector<16xf32>
      %select_n3A_196 = arith.select %eq3A_193, %div3A_154, %select_n3A_195 : vector<16xi1>, vector<16xf32>
      %add3A_197 = arith.constant 5 : i32
      %add3A_198 = vector.broadcast %add3A_197 : i32 to vector<16xi32>
      %add3A_199 = arith.addi %add3A_19, %add3A_198 : vector<16xi32>
      tpu.vector_store_idx %arg6[%add3A_199], %select_n3A_196 : memref<4096xf32, #tpu.memory_space<vmem>>[vector<16xi32>], vector<16xf32>,
      %eq3A_200 = arith.cmpf oeq, %bitcast_convert_type3A_99, %max3A_117 : vector<16xf32>
      %eq3A_201 = arith.cmpf oeq, %bitcast_convert_type3A_99, %max3A_139 : vector<16xf32>
      %select_n3A_202 = arith.select %eq3A_201, %mul3A_155, %broadcast_in_dim3A_157 : vector<16xi1>, vector<16xf32>
      %select_n3A_203 = arith.select %eq3A_200, %div3A_154, %select_n3A_202 : vector<16xi1>, vector<16xf32>
      %add3A_204 = arith.constant 6 : i32
      %add3A_205 = vector.broadcast %add3A_204 : i32 to vector<16xi32>
      %add3A_206 = arith.addi %add3A_19, %add3A_205 : vector<16xi32>
      tpu.vector_store_idx %arg6[%add3A_206], %select_n3A_203 : memref<4096xf32, #tpu.memory_space<vmem>>[vector<16xi32>], vector<16xf32>,
      %eq3A_207 = arith.cmpf oeq, %bitcast_convert_type3A_111, %max3A_117 : vector<16xf32>
      %eq3A_208 = arith.cmpf oeq, %bitcast_convert_type3A_111, %max3A_139 : vector<16xf32>
      %select_n3A_209 = arith.select %eq3A_208, %mul3A_155, %broadcast_in_dim3A_157 : vector<16xi1>, vector<16xf32>
      %select_n3A_210 = arith.select %eq3A_207, %div3A_154, %select_n3A_209 : vector<16xi1>, vector<16xf32>
      %add3A_211 = arith.constant 7 : i32
      %add3A_212 = vector.broadcast %add3A_211 : i32 to vector<16xi32>
      %add3A_213 = arith.addi %add3A_19, %add3A_212 : vector<16xi32>
      tpu.vector_store_idx %arg6[%add3A_213], %select_n3A_210 : memref<4096xf32, #tpu.memory_space<vmem>>[vector<16xi32>], vector<16xf32>,
      %mul3A_214 = arith.constant 32 : i32
      %mul3A_215 = arith.muli %scan3A_12, %mul3A_214 : i32
      %mul3A_216 = arith.constant 2 : i32
      %mul3A_217 = vector.broadcast %mul3A_216 : i32 to vector<16xi32>
      %mul3A_218 = arith.muli %iota3A, %mul3A_217 : vector<16xi32>
      %add3A_219 = vector.broadcast %mul3A_215 : i32 to vector<16xi32>
      %add3A_220 = arith.addi %add3A_219, %mul3A_218 : vector<16xi32>
      %and3A_221 = arith.constant 7 : i32
      %and3A_222 = vector.broadcast %and3A_221 : i32 to vector<16xi32>
      %and3A_223 = arith.andi %bitcast_convert_type3A_140, %and3A_222 : vector<16xi32>
      %sub3A_224 = arith.constant 7 : i32
      %sub3A_225 = vector.broadcast %sub3A_224 : i32 to vector<16xi32>
      %sub3A_226 = arith.subi %sub3A_225, %and3A_223 : vector<16xi32>
      tpu.vector_store_idx %arg7[%add3A_220], %sub3A_226 : memref<1024xi32, #tpu.memory_space<vmem>>[vector<16xi32>], vector<16xi32>,
      %add3A_227 = arith.constant 1 : i32
      %add3A_228 = vector.broadcast %add3A_227 : i32 to vector<16xi32>
      %add3A_229 = arith.addi %add3A_220, %add3A_228 : vector<16xi32>
      %and3A_230 = arith.constant 7 : i32
      %and3A_231 = vector.broadcast %and3A_230 : i32 to vector<16xi32>
      %and3A_232 = arith.andi %bitcast_convert_type3A_141, %and3A_231 : vector<16xi32>
      %sub3A_233 = arith.constant 7 : i32
      %sub3A_234 = vector.broadcast %sub3A_233 : i32 to vector<16xi32>
      %sub3A_235 = arith.subi %sub3A_234, %and3A_232 : vector<16xi32>
      tpu.vector_store_idx %arg7[%add3A_229], %sub3A_235 : memref<1024xi32, #tpu.memory_space<vmem>>[vector<16xi32>], vector<16xi32>,
    }
    %scan3A_7 = arith.constant 32 : i32
    "tpu.region"() ({
      %run_scoped3A = tpu.sem_alloc : memref<!tpu.dma_semaphore, #tpu.memory_space<semaphore_mem>>
      %dma_start3A = tpu.memref_slice %arg3[%mul3A_2] : memref<131072xf32, #tpu.memory_space<hbm>> -> memref<4096xf32, #tpu.memory_space<hbm>>
      %dma_start3A_12 = tpu.memref_slice %arg3[%mul3A_2] : memref<131072xf32, #tpu.memory_space<hbm>> -> memref<4096xf32, #tpu.memory_space<hbm>>
      tpu.enqueue_dma source(%arg6 : memref<4096xf32, #tpu.memory_space<vmem>>) target(%dma_start3A_12 : memref<4096xf32, #tpu.memory_space<hbm>>) target_semaphore(%run_scoped3A : memref<!tpu.dma_semaphore, #tpu.memory_space<semaphore_mem>>)
      %dma_wait3A = tpu.memref_slice %arg3[%mul3A_2] : memref<131072xf32, #tpu.memory_space<hbm>> -> memref<4096xf32, #tpu.memory_space<hbm>>
      %dma_wait3A_13 = tpu.memref_slice %arg3[%mul3A_2] : memref<131072xf32, #tpu.memory_space<hbm>> -> memref<4096xf32, #tpu.memory_space<hbm>>
      tpu.wait_dma2 semaphore(%run_scoped3A : memref<!tpu.dma_semaphore, #tpu.memory_space<semaphore_mem>>) src(%arg6 : memref<4096xf32, #tpu.memory_space<vmem>>) dst(%dma_wait3A_13 : memref<4096xf32, #tpu.memory_space<hbm>>)
      tpu.yield
    }) : () -> ()
    %mul3A_8 = arith.constant 512 : i32
    %mul3A_9 = arith.muli %add3A, %mul3A_8 : i32
    %mul3A_10 = arith.constant 2 : i32
    %mul3A_11 = arith.muli %mul3A_9, %mul3A_10 : i32
    "tpu.region"() ({
      %run_scoped3A = tpu.sem_alloc : memref<!tpu.dma_semaphore, #tpu.memory_space<semaphore_mem>>
      %dma_start3A = tpu.memref_slice %arg4[%mul3A_11] : memref<32768xi32, #tpu.memory_space<hbm>> -> memref<1024xi32, #tpu.memory_space<hbm>>
      %dma_start3A_12 = tpu.memref_slice %arg4[%mul3A_11] : memref<32768xi32, #tpu.memory_space<hbm>> -> memref<1024xi32, #tpu.memory_space<hbm>>
      tpu.enqueue_dma source(%arg7 : memref<1024xi32, #tpu.memory_space<vmem>>) target(%dma_start3A_12 : memref<1024xi32, #tpu.memory_space<hbm>>) target_semaphore(%run_scoped3A : memref<!tpu.dma_semaphore, #tpu.memory_space<semaphore_mem>>)
      %dma_wait3A = tpu.memref_slice %arg4[%mul3A_11] : memref<32768xi32, #tpu.memory_space<hbm>> -> memref<1024xi32, #tpu.memory_space<hbm>>
      %dma_wait3A_13 = tpu.memref_slice %arg4[%mul3A_11] : memref<32768xi32, #tpu.memory_space<hbm>> -> memref<1024xi32, #tpu.memory_space<hbm>>
      tpu.wait_dma2 semaphore(%run_scoped3A : memref<!tpu.dma_semaphore, #tpu.memory_space<semaphore_mem>>) src(%arg7 : memref<1024xi32, #tpu.memory_space<vmem>>) dst(%dma_wait3A_13 : memref<1024xi32, #tpu.memory_space<hbm>>)
      tpu.yield
    }) : () -> ()
    return
  }
}

#map = affine_map<(d0, d1) -> (0)>
module attributes {stable_mosaic.version = 14 : i64} {
  func.func @_sc_topk(%arg0: i32, %arg1: i32, %arg2: memref<131072xf32, #tpu.memory_space<hbm>>, %arg3: memref<131072xf32, #tpu.memory_space<hbm>>, %arg4: memref<32768xi32, #tpu.memory_space<hbm>>, %arg5: memref<4096xf32, #tpu.memory_space<vmem>>, %arg6: memref<4096xf32, #tpu.memory_space<vmem>>, %arg7: memref<1024xi32, #tpu.memory_space<vmem>>) attributes {dimension_semantics = [#tpu.dimension_semantics<core_parallel>, #tpu.dimension_semantics<subcore_parallel>], iteration_bounds = array<i64: 2, 16>, scalar_prefetch = 0 : i64, scratch_operands = 3 : i64, tpu.core_type = #tpu.core_type<sc_vector_subcore>, window_params = [{transform_indices = #map}, {transform_indices = #map}, {transform_indices = #map}]} {
    %mul3A = arith.constant 2 : i32
    %mul3A_0 = arith.muli %arg1, %mul3A : i32
    %add3A = arith.addi %mul3A_0, %arg0 : i32
    %mul3A_1 = arith.constant 4096 : i32
    %mul3A_2 = arith.muli %add3A, %mul3A_1 : i32
    "tpu.region"() ({
      %run_scoped3A = tpu.sem_alloc : memref<!tpu.dma_semaphore, #tpu.memory_space<semaphore_mem>>
      %dma_start3A = tpu.memref_slice %arg2[%mul3A_2] : memref<131072xf32, #tpu.memory_space<hbm>> -> memref<4096xf32, #tpu.memory_space<hbm>>
      %dma_start3A_12 = tpu.memref_slice %arg2[%mul3A_2] : memref<131072xf32, #tpu.memory_space<hbm>> -> memref<4096xf32, #tpu.memory_space<hbm>>
      tpu.enqueue_dma source(%dma_start3A_12 : memref<4096xf32, #tpu.memory_space<hbm>>) target(%arg5 : memref<4096xf32, #tpu.memory_space<vmem>>) target_semaphore(%run_scoped3A : memref<!tpu.dma_semaphore, #tpu.memory_space<semaphore_mem>>)
      %dma_wait3A = tpu.memref_slice %arg2[%mul3A_2] : memref<131072xf32, #tpu.memory_space<hbm>> -> memref<4096xf32, #tpu.memory_space<hbm>>
      %dma_wait3A_13 = tpu.memref_slice %arg2[%mul3A_2] : memref<131072xf32, #tpu.memory_space<hbm>> -> memref<4096xf32, #tpu.memory_space<hbm>>
      tpu.wait_dma2 semaphore(%run_scoped3A : memref<!tpu.dma_semaphore, #tpu.memory_space<semaphore_mem>>) src(%dma_wait3A_13 : memref<4096xf32, #tpu.memory_space<hbm>>) dst(%arg5 : memref<4096xf32, #tpu.memory_space<vmem>>)
      tpu.yield
    }) : () -> ()
    %iota3A = tpu.iota {dimensions = array<i32: 0>} : vector<16xi32>
    %scan3A = arith.constant 0 : i32
    %scan3A_3 = arith.constant 0 : i32
    %scan3A_4 = arith.constant 32 : i32
    %scan3A_5 = arith.addi %scan3A_3, %scan3A_4 : i32
    %scan3A_6 = arith.constant 1 : i32
    scf.for %scan3A_12 = %scan3A_3 to %scan3A_5 step %scan3A_6  : i32 {
      %mul3A_13 = arith.constant 128 : i32
      %mul3A_14 = arith.muli %scan3A_12, %mul3A_13 : i32
      %mul3A_15 = arith.constant 8 : i32
      %mul3A_16 = vector.broadcast %mul3A_15 : i32 to vector<16xi32>
      %mul3A_17 = arith.muli %iota3A, %mul3A_16 : vector<16xi32>
      %add3A_18 = vector.broadcast %mul3A_14 : i32 to vector<16xi32>
      %add3A_19 = arith.addi %add3A_18, %mul3A_17 : vector<16xi32>
      %add3A_20 = arith.constant 0 : i32
      %add3A_21 = vector.broadcast %add3A_20 : i32 to vector<16xi32>
      %add3A_22 = arith.addi %add3A_19, %add3A_21 : vector<16xi32>
      %gather3A = tpu.vector_load_idx %arg5[%add3A_22] : memref<4096xf32, #tpu.memory_space<vmem>>[vector<16xi32>], vector<16xf32>,
      %bitcast_convert_type3A = tpu.bitcast %gather3A : vector<16xf32> -> vector<16xi32>
      %and3A = arith.constant -8 : i32
      %and3A_23 = vector.broadcast %and3A : i32 to vector<16xi32>
      %and3A_24 = arith.andi %bitcast_convert_type3A, %and3A_23 : vector<16xi32>
      %or3A = arith.constant 7 : i32
      %or3A_25 = vector.broadcast %or3A : i32 to vector<16xi32>
      %or3A_26 = arith.ori %and3A_24, %or3A_25 : vector<16xi32>
      %bitcast_convert_type3A_27 = tpu.bitcast %or3A_26 : vector<16xi32> -> vector<16xf32>
      %add3A_28 = arith.constant 1 : i32
      %add3A_29 = vector.broadcast %add3A_28 : i32 to vector<16xi32>
      %add3A_30 = arith.addi %add3A_19, %add3A_29 : vector<16xi32>
      %gather3A_31 = tpu.vector_load_idx %arg5[%add3A_30] : memref<4096xf32, #tpu.memory_space<vmem>>[vector<16xi32>], vector<16xf32>,
      %bitcast_convert_type3A_32 = tpu.bitcast %gather3A_31 : vector<16xf32> -> vector<16xi32>
      %and3A_33 = arith.constant -8 : i32
      %and3A_34 = vector.broadcast %and3A_33 : i32 to vector<16xi32>
      %and3A_35 = arith.andi %bitcast_convert_type3A_32, %and3A_34 : vector<16xi32>
      %or3A_36 = arith.constant 6 : i32
      %or3A_37 = vector.broadcast %or3A_36 : i32 to vector<16xi32>
      %or3A_38 = arith.ori %and3A_35, %or3A_37 : vector<16xi32>
      %bitcast_convert_type3A_39 = tpu.bitcast %or3A_38 : vector<16xi32> -> vector<16xf32>
      %add3A_40 = arith.constant 2 : i32
      %add3A_41 = vector.broadcast %add3A_40 : i32 to vector<16xi32>
      %add3A_42 = arith.addi %add3A_19, %add3A_41 : vector<16xi32>
      %gather3A_43 = tpu.vector_load_idx %arg5[%add3A_42] : memref<4096xf32, #tpu.memory_space<vmem>>[vector<16xi32>], vector<16xf32>,
      %bitcast_convert_type3A_44 = tpu.bitcast %gather3A_43 : vector<16xf32> -> vector<16xi32>
      %and3A_45 = arith.constant -8 : i32
      %and3A_46 = vector.broadcast %and3A_45 : i32 to vector<16xi32>
      %and3A_47 = arith.andi %bitcast_convert_type3A_44, %and3A_46 : vector<16xi32>
      %or3A_48 = arith.constant 5 : i32
      %or3A_49 = vector.broadcast %or3A_48 : i32 to vector<16xi32>
      %or3A_50 = arith.ori %and3A_47, %or3A_49 : vector<16xi32>
      %bitcast_convert_type3A_51 = tpu.bitcast %or3A_50 : vector<16xi32> -> vector<16xf32>
      %add3A_52 = arith.constant 3 : i32
      %add3A_53 = vector.broadcast %add3A_52 : i32 to vector<16xi32>
      %add3A_54 = arith.addi %add3A_19, %add3A_53 : vector<16xi32>
      %gather3A_55 = tpu.vector_load_idx %arg5[%add3A_54] : memref<4096xf32, #tpu.memory_space<vmem>>[vector<16xi32>], vector<16xf32>,
      %bitcast_convert_type3A_56 = tpu.bitcast %gather3A_55 : vector<16xf32> -> vector<16xi32>
      %and3A_57 = arith.constant -8 : i32
      %and3A_58 = vector.broadcast %and3A_57 : i32 to vector<16xi32>
      %and3A_59 = arith.andi %bitcast_convert_type3A_56, %and3A_58 : vector<16xi32>
      %or3A_60 = arith.constant 4 : i32
      %or3A_61 = vector.broadcast %or3A_60 : i32 to vector<16xi32>
      %or3A_62 = arith.ori %and3A_59, %or3A_61 : vector<16xi32>
      %bitcast_convert_type3A_63 = tpu.bitcast %or3A_62 : vector<16xi32> -> vector<16xf32>
      %add3A_64 = arith.constant 4 : i32
      %add3A_65 = vector.broadcast %add3A_64 : i32 to vector<16xi32>
      %add3A_66 = arith.addi %add3A_19, %add3A_65 : vector<16xi32>
      %gather3A_67 = tpu.vector_load_idx %arg5[%add3A_66] : memref<4096xf32, #tpu.memory_space<vmem>>[vector<16xi32>], vector<16xf32>,
      %bitcast_convert_type3A_68 = tpu.bitcast %gather3A_67 : vector<16xf32> -> vector<16xi32>
      %and3A_69 = arith.constant -8 : i32
      %and3A_70 = vector.broadcast %and3A_69 : i32 to vector<16xi32>
      %and3A_71 = arith.andi %bitcast_convert_type3A_68, %and3A_70 : vector<16xi32>
      %or3A_72 = arith.constant 3 : i32
      %or3A_73 = vector.broadcast %or3A_72 : i32 to vector<16xi32>
      %or3A_74 = arith.ori %and3A_71, %or3A_73 : vector<16xi32>
      %bitcast_convert_type3A_75 = tpu.bitcast %or3A_74 : vector<16xi32> -> vector<16xf32>
      %add3A_76 = arith.constant 5 : i32
      %add3A_77 = vector.broadcast %add3A_76 : i32 to vector<16xi32>
      %add3A_78 = arith.addi %add3A_19, %add3A_77 : vector<16xi32>
      %gather3A_79 = tpu.vector_load_idx %arg5[%add3A_78] : memref<4096xf32, #tpu.memory_space<vmem>>[vector<16xi32>], vector<16xf32>,
      %bitcast_convert_type3A_80 = tpu.bitcast %gather3A_79 : vector<16xf32> -> vector<16xi32>
      %and3A_81 = arith.constant -8 : i32
      %and3A_82 = vector.broadcast %and3A_81 : i32 to vector<16xi32>
      %and3A_83 = arith.andi %bitcast_convert_type3A_80, %and3A_82 : vector<16xi32>
      %or3A_84 = arith.constant 2 : i32
      %or3A_85 = vector.broadcast %or3A_84 : i32 to vector<16xi32>
      %or3A_86 = arith.ori %and3A_83, %or3A_85 : vector<16xi32>
      %bitcast_convert_type3A_87 = tpu.bitcast %or3A_86 : vector<16xi32> -> vector<16xf32>
      %add3A_88 = arith.constant 6 : i32
      %add3A_89 = vector.broadcast %add3A_88 : i32 to vector<16xi32>
      %add3A_90 = arith.addi %add3A_19, %add3A_89 : vector<16xi32>
      %gather3A_91 = tpu.vector_load_idx %arg5[%add3A_90] : memref<4096xf32, #tpu.memory_space<vmem>>[vector<16xi32>], vector<16xf32>,
      %bitcast_convert_type3A_92 = tpu.bitcast %gather3A_91 : vector<16xf32> -> vector<16xi32>
      %and3A_93 = arith.constant -8 : i32
      %and3A_94 = vector.broadcast %and3A_93 : i32 to vector<16xi32>
      %and3A_95 = arith.andi %bitcast_convert_type3A_92, %and3A_94 : vector<16xi32>
      %or3A_96 = arith.constant 1 : i32
      %or3A_97 = vector.broadcast %or3A_96 : i32 to vector<16xi32>
      %or3A_98 = arith.ori %and3A_95, %or3A_97 : vector<16xi32>
      %bitcast_convert_type3A_99 = tpu.bitcast %or3A_98 : vector<16xi32> -> vector<16xf32>
      %add3A_100 = arith.constant 7 : i32
      %add3A_101 = vector.broadcast %add3A_100 : i32 to vector<16xi32>
      %add3A_102 = arith.addi %add3A_19, %add3A_101 : vector<16xi32>
      %gather3A_103 = tpu.vector_load_idx %arg5[%add3A_102] : memref<4096xf32, #tpu.memory_space<vmem>>[vector<16xi32>], vector<16xf32>,
      %bitcast_convert_type3A_104 = tpu.bitcast %gather3A_103 : vector<16xf32> -> vector<16xi32>
      %and3A_105 = arith.constant -8 : i32
      %and3A_106 = vector.broadcast %and3A_105 : i32 to vector<16xi32>
      %and3A_107 = arith.andi %bitcast_convert_type3A_104, %and3A_106 : vector<16xi32>
      %or3A_108 = arith.constant 0 : i32
      %or3A_109 = vector.broadcast %or3A_108 : i32 to vector<16xi32>
      %or3A_110 = arith.ori %and3A_107, %or3A_109 : vector<16xi32>
      %bitcast_convert_type3A_111 = tpu.bitcast %or3A_110 : vector<16xi32> -> vector<16xf32>
      %max3A = arith.maximumf %bitcast_convert_type3A_27, %bitcast_convert_type3A_39 : vector<16xf32>
      %max3A_112 = arith.maximumf %max3A, %bitcast_convert_type3A_51 : vector<16xf32>
      %max3A_113 = arith.maximumf %max3A_112, %bitcast_convert_type3A_63 : vector<16xf32>
      %max3A_114 = arith.maximumf %max3A_113, %bitcast_convert_type3A_75 : vector<16xf32>
      %max3A_115 = arith.maximumf %max3A_114, %bitcast_convert_type3A_87 : vector<16xf32>
      %max3A_116 = arith.maximumf %max3A_115, %bitcast_convert_type3A_99 : vector<16xf32>
      %max3A_117 = arith.maximumf %max3A_116, %bitcast_convert_type3A_111 : vector<16xf32>
      %broadcast_in_dim3A = arith.constant 0xFF800000 : f32
      %broadcast_in_dim3A_118 = vector.broadcast %broadcast_in_dim3A : f32 to vector<16xf32>
      %eq3A = arith.cmpf oeq, %bitcast_convert_type3A_27, %max3A_117 : vector<16xf32>
      %select_n3A = arith.select %eq3A, %broadcast_in_dim3A_118, %bitcast_convert_type3A_27 : vector<16xi1>, vector<16xf32>
      %eq3A_119 = arith.cmpf oeq, %bitcast_convert_type3A_39, %max3A_117 : vector<16xf32>
      %select_n3A_120 = arith.select %eq3A_119, %broadcast_in_dim3A_118, %bitcast_convert_type3A_39 : vector<16xi1>, vector<16xf32>
      %max3A_121 = arith.maximumf %select_n3A, %select_n3A_120 : vector<16xf32>
      %eq3A_122 = arith.cmpf oeq, %bitcast_convert_type3A_51, %max3A_117 : vector<16xf32>
      %select_n3A_123 = arith.select %eq3A_122, %broadcast_in_dim3A_118, %bitcast_convert_type3A_51 : vector<16xi1>, vector<16xf32>
      %max3A_124 = arith.maximumf %max3A_121, %select_n3A_123 : vector<16xf32>
      %eq3A_125 = arith.cmpf oeq, %bitcast_convert_type3A_63, %max3A_117 : vector<16xf32>
      %select_n3A_126 = arith.select %eq3A_125, %broadcast_in_dim3A_118, %bitcast_convert_type3A_63 : vector<16xi1>, vector<16xf32>
      %max3A_127 = arith.maximumf %max3A_124, %select_n3A_126 : vector<16xf32>
      %eq3A_128 = arith.cmpf oeq, %bitcast_convert_type3A_75, %max3A_117 : vector<16xf32>
      %select_n3A_129 = arith.select %eq3A_128, %broadcast_in_dim3A_118, %bitcast_convert_type3A_75 : vector<16xi1>, vector<16xf32>
      %max3A_130 = arith.maximumf %max3A_127, %select_n3A_129 : vector<16xf32>
      %eq3A_131 = arith.cmpf oeq, %bitcast_convert_type3A_87, %max3A_117 : vector<16xf32>
      %select_n3A_132 = arith.select %eq3A_131, %broadcast_in_dim3A_118, %bitcast_convert_type3A_87 : vector<16xi1>, vector<16xf32>
      %max3A_133 = arith.maximumf %max3A_130, %select_n3A_132 : vector<16xf32>
      %eq3A_134 = arith.cmpf oeq, %bitcast_convert_type3A_99, %max3A_117 : vector<16xf32>
      %select_n3A_135 = arith.select %eq3A_134, %broadcast_in_dim3A_118, %bitcast_convert_type3A_99 : vector<16xi1>, vector<16xf32>
      %max3A_136 = arith.maximumf %max3A_133, %select_n3A_135 : vector<16xf32>
      %eq3A_137 = arith.cmpf oeq, %bitcast_convert_type3A_111, %max3A_117 : vector<16xf32>
      %select_n3A_138 = arith.select %eq3A_137, %broadcast_in_dim3A_118, %bitcast_convert_type3A_111 : vector<16xi1>, vector<16xf32>
      %max3A_139 = arith.maximumf %max3A_136, %select_n3A_138 : vector<16xf32>
      %bitcast_convert_type3A_140 = tpu.bitcast %max3A_117 : vector<16xf32> -> vector<16xi32>
      %bitcast_convert_type3A_141 = tpu.bitcast %max3A_139 : vector<16xf32> -> vector<16xi32>
      %and3A_142 = arith.constant -8 : i32
      %and3A_143 = vector.broadcast %and3A_142 : i32 to vector<16xi32>
      %and3A_144 = arith.andi %bitcast_convert_type3A_140, %and3A_143 : vector<16xi32>
      %bitcast_convert_type3A_145 = tpu.bitcast %and3A_144 : vector<16xi32> -> vector<16xf32>
      %and3A_146 = arith.constant -8 : i32
      %and3A_147 = vector.broadcast %and3A_146 : i32 to vector<16xi32>
      %and3A_148 = arith.andi %bitcast_convert_type3A_141, %and3A_147 : vector<16xi32>
      %bitcast_convert_type3A_149 = tpu.bitcast %and3A_148 : vector<16xi32> -> vector<16xf32>
      %sub3A = arith.subf %bitcast_convert_type3A_149, %bitcast_convert_type3A_145 : vector<16xf32>
      %exp3A = math.exp %sub3A : vector<16xf32>
      %add3A_150 = arith.constant 1.000000e+00 : f32
      %add3A_151 = vector.broadcast %add3A_150 : f32 to vector<16xf32>
      %add3A_152 = arith.addf %add3A_151, %exp3A : vector<16xf32>
      %div3A = arith.constant 1.000000e+00 : f32
      %div3A_153 = vector.broadcast %div3A : f32 to vector<16xf32>
      %div3A_154 = arith.divf %div3A_153, %add3A_152 : vector<16xf32>
      %mul3A_155 = arith.mulf %exp3A, %div3A_154 : vector<16xf32>
      %broadcast_in_dim3A_156 = arith.constant 0.000000e+00 : f32
      %broadcast_in_dim3A_157 = vector.broadcast %broadcast_in_dim3A_156 : f32 to vector<16xf32>
      %eq3A_158 = arith.cmpf oeq, %bitcast_convert_type3A_27, %max3A_117 : vector<16xf32>
      %eq3A_159 = arith.cmpf oeq, %bitcast_convert_type3A_27, %max3A_139 : vector<16xf32>
      %select_n3A_160 = arith.select %eq3A_159, %mul3A_155, %broadcast_in_dim3A_157 : vector<16xi1>, vector<16xf32>
      %select_n3A_161 = arith.select %eq3A_158, %div3A_154, %select_n3A_160 : vector<16xi1>, vector<16xf32>
      %add3A_162 = arith.constant 0 : i32
      %add3A_163 = vector.broadcast %add3A_162 : i32 to vector<16xi32>
      %add3A_164 = arith.addi %add3A_19, %add3A_163 : vector<16xi32>
      tpu.vector_store_idx %arg6[%add3A_164], %select_n3A_161 : memref<4096xf32, #tpu.memory_space<vmem>>[vector<16xi32>], vector<16xf32>,
      %eq3A_165 = arith.cmpf oeq, %bitcast_convert_type3A_39, %max3A_117 : vector<16xf32>
      %eq3A_166 = arith.cmpf oeq, %bitcast_convert_type3A_39, %max3A_139 : vector<16xf32>
      %select_n3A_167 = arith.select %eq3A_166, %mul3A_155, %broadcast_in_dim3A_157 : vector<16xi1>, vector<16xf32>
      %select_n3A_168 = arith.select %eq3A_165, %div3A_154, %select_n3A_167 : vector<16xi1>, vector<16xf32>
      %add3A_169 = arith.constant 1 : i32
      %add3A_170 = vector.broadcast %add3A_169 : i32 to vector<16xi32>
      %add3A_171 = arith.addi %add3A_19, %add3A_170 : vector<16xi32>
      tpu.vector_store_idx %arg6[%add3A_171], %select_n3A_168 : memref<4096xf32, #tpu.memory_space<vmem>>[vector<16xi32>], vector<16xf32>,
      %eq3A_172 = arith.cmpf oeq, %bitcast_convert_type3A_51, %max3A_117 : vector<16xf32>
      %eq3A_173 = arith.cmpf oeq, %bitcast_convert_type3A_51, %max3A_139 : vector<16xf32>
      %select_n3A_174 = arith.select %eq3A_173, %mul3A_155, %broadcast_in_dim3A_157 : vector<16xi1>, vector<16xf32>
      %select_n3A_175 = arith.select %eq3A_172, %div3A_154, %select_n3A_174 : vector<16xi1>, vector<16xf32>
      %add3A_176 = arith.constant 2 : i32
      %add3A_177 = vector.broadcast %add3A_176 : i32 to vector<16xi32>
      %add3A_178 = arith.addi %add3A_19, %add3A_177 : vector<16xi32>
      tpu.vector_store_idx %arg6[%add3A_178], %select_n3A_175 : memref<4096xf32, #tpu.memory_space<vmem>>[vector<16xi32>], vector<16xf32>,
      %eq3A_179 = arith.cmpf oeq, %bitcast_convert_type3A_63, %max3A_117 : vector<16xf32>
      %eq3A_180 = arith.cmpf oeq, %bitcast_convert_type3A_63, %max3A_139 : vector<16xf32>
      %select_n3A_181 = arith.select %eq3A_180, %mul3A_155, %broadcast_in_dim3A_157 : vector<16xi1>, vector<16xf32>
      %select_n3A_182 = arith.select %eq3A_179, %div3A_154, %select_n3A_181 : vector<16xi1>, vector<16xf32>
      %add3A_183 = arith.constant 3 : i32
      %add3A_184 = vector.broadcast %add3A_183 : i32 to vector<16xi32>
      %add3A_185 = arith.addi %add3A_19, %add3A_184 : vector<16xi32>
      tpu.vector_store_idx %arg6[%add3A_185], %select_n3A_182 : memref<4096xf32, #tpu.memory_space<vmem>>[vector<16xi32>], vector<16xf32>,
      %eq3A_186 = arith.cmpf oeq, %bitcast_convert_type3A_75, %max3A_117 : vector<16xf32>
      %eq3A_187 = arith.cmpf oeq, %bitcast_convert_type3A_75, %max3A_139 : vector<16xf32>
      %select_n3A_188 = arith.select %eq3A_187, %mul3A_155, %broadcast_in_dim3A_157 : vector<16xi1>, vector<16xf32>
      %select_n3A_189 = arith.select %eq3A_186, %div3A_154, %select_n3A_188 : vector<16xi1>, vector<16xf32>
      %add3A_190 = arith.constant 4 : i32
      %add3A_191 = vector.broadcast %add3A_190 : i32 to vector<16xi32>
      %add3A_192 = arith.addi %add3A_19, %add3A_191 : vector<16xi32>
      tpu.vector_store_idx %arg6[%add3A_192], %select_n3A_189 : memref<4096xf32, #tpu.memory_space<vmem>>[vector<16xi32>], vector<16xf32>,
      %eq3A_193 = arith.cmpf oeq, %bitcast_convert_type3A_87, %max3A_117 : vector<16xf32>
      %eq3A_194 = arith.cmpf oeq, %bitcast_convert_type3A_87, %max3A_139 : vector<16xf32>
      %select_n3A_195 = arith.select %eq3A_194, %mul3A_155, %broadcast_in_dim3A_157 : vector<16xi1>, vector<16xf32>
      %select_n3A_196 = arith.select %eq3A_193, %div3A_154, %select_n3A_195 : vector<16xi1>, vector<16xf32>
      %add3A_197 = arith.constant 5 : i32
      %add3A_198 = vector.broadcast %add3A_197 : i32 to vector<16xi32>
      %add3A_199 = arith.addi %add3A_19, %add3A_198 : vector<16xi32>
      tpu.vector_store_idx %arg6[%add3A_199], %select_n3A_196 : memref<4096xf32, #tpu.memory_space<vmem>>[vector<16xi32>], vector<16xf32>,
      %eq3A_200 = arith.cmpf oeq, %bitcast_convert_type3A_99, %max3A_117 : vector<16xf32>
      %eq3A_201 = arith.cmpf oeq, %bitcast_convert_type3A_99, %max3A_139 : vector<16xf32>
      %select_n3A_202 = arith.select %eq3A_201, %mul3A_155, %broadcast_in_dim3A_157 : vector<16xi1>, vector<16xf32>
      %select_n3A_203 = arith.select %eq3A_200, %div3A_154, %select_n3A_202 : vector<16xi1>, vector<16xf32>
      %add3A_204 = arith.constant 6 : i32
      %add3A_205 = vector.broadcast %add3A_204 : i32 to vector<16xi32>
      %add3A_206 = arith.addi %add3A_19, %add3A_205 : vector<16xi32>
      tpu.vector_store_idx %arg6[%add3A_206], %select_n3A_203 : memref<4096xf32, #tpu.memory_space<vmem>>[vector<16xi32>], vector<16xf32>,
      %eq3A_207 = arith.cmpf oeq, %bitcast_convert_type3A_111, %max3A_117 : vector<16xf32>
      %eq3A_208 = arith.cmpf oeq, %bitcast_convert_type3A_111, %max3A_139 : vector<16xf32>
      %select_n3A_209 = arith.select %eq3A_208, %mul3A_155, %broadcast_in_dim3A_157 : vector<16xi1>, vector<16xf32>
      %select_n3A_210 = arith.select %eq3A_207, %div3A_154, %select_n3A_209 : vector<16xi1>, vector<16xf32>
      %add3A_211 = arith.constant 7 : i32
      %add3A_212 = vector.broadcast %add3A_211 : i32 to vector<16xi32>
      %add3A_213 = arith.addi %add3A_19, %add3A_212 : vector<16xi32>
      tpu.vector_store_idx %arg6[%add3A_213], %select_n3A_210 : memref<4096xf32, #tpu.memory_space<vmem>>[vector<16xi32>], vector<16xf32>,
      %mul3A_214 = arith.constant 32 : i32
      %mul3A_215 = arith.muli %scan3A_12, %mul3A_214 : i32
      %mul3A_216 = arith.constant 2 : i32
      %mul3A_217 = vector.broadcast %mul3A_216 : i32 to vector<16xi32>
      %mul3A_218 = arith.muli %iota3A, %mul3A_217 : vector<16xi32>
      %add3A_219 = vector.broadcast %mul3A_215 : i32 to vector<16xi32>
      %add3A_220 = arith.addi %add3A_219, %mul3A_218 : vector<16xi32>
      %and3A_221 = arith.constant 7 : i32
      %and3A_222 = vector.broadcast %and3A_221 : i32 to vector<16xi32>
      %and3A_223 = arith.andi %bitcast_convert_type3A_140, %and3A_222 : vector<16xi32>
      %sub3A_224 = arith.constant 7 : i32
      %sub3A_225 = vector.broadcast %sub3A_224 : i32 to vector<16xi32>
      %sub3A_226 = arith.subi %sub3A_225, %and3A_223 : vector<16xi32>
      tpu.vector_store_idx %arg7[%add3A_220], %sub3A_226 : memref<1024xi32, #tpu.memory_space<vmem>>[vector<16xi32>], vector<16xi32>,
      %add3A_227 = arith.constant 1 : i32
      %add3A_228 = vector.broadcast %add3A_227 : i32 to vector<16xi32>
      %add3A_229 = arith.addi %add3A_220, %add3A_228 : vector<16xi32>
      %and3A_230 = arith.constant 7 : i32
      %and3A_231 = vector.broadcast %and3A_230 : i32 to vector<16xi32>
      %and3A_232 = arith.andi %bitcast_convert_type3A_141, %and3A_231 : vector<16xi32>
      %sub3A_233 = arith.constant 7 : i32
      %sub3A_234 = vector.broadcast %sub3A_233 : i32 to vector<16xi32>
      %sub3A_235 = arith.subi %sub3A_234, %and3A_232 : vector<16xi32>
      tpu.vector_store_idx %arg7[%add3A_229], %sub3A_235 : memref<1024xi32, #tpu.memory_space<vmem>>[vector<16xi32>], vector<16xi32>,
    }
    %scan3A_7 = arith.constant 32 : i32
    "tpu.region"() ({
      %run_scoped3A = tpu.sem_alloc : memref<!tpu.dma_semaphore, #tpu.memory_space<semaphore_mem>>
      %dma_start3A = tpu.memref_slice %arg3[%mul3A_2] : memref<131072xf32, #tpu.memory_space<hbm>> -> memref<4096xf32, #tpu.memory_space<hbm>>
      %dma_start3A_12 = tpu.memref_slice %arg3[%mul3A_2] : memref<131072xf32, #tpu.memory_space<hbm>> -> memref<4096xf32, #tpu.memory_space<hbm>>
      tpu.enqueue_dma source(%arg6 : memref<4096xf32, #tpu.memory_space<vmem>>) target(%dma_start3A_12 : memref<4096xf32, #tpu.memory_space<hbm>>) target_semaphore(%run_scoped3A : memref<!tpu.dma_semaphore, #tpu.memory_space<semaphore_mem>>)
      %dma_wait3A = tpu.memref_slice %arg3[%mul3A_2] : memref<131072xf32, #tpu.memory_space<hbm>> -> memref<4096xf32, #tpu.memory_space<hbm>>
      %dma_wait3A_13 = tpu.memref_slice %arg3[%mul3A_2] : memref<131072xf32, #tpu.memory_space<hbm>> -> memref<4096xf32, #tpu.memory_space<hbm>>
      tpu.wait_dma2 semaphore(%run_scoped3A : memref<!tpu.dma_semaphore, #tpu.memory_space<semaphore_mem>>) src(%arg6 : memref<4096xf32, #tpu.memory_space<vmem>>) dst(%dma_wait3A_13 : memref<4096xf32, #tpu.memory_space<hbm>>)
      tpu.yield
    }) : () -> ()
    %mul3A_8 = arith.constant 512 : i32
    %mul3A_9 = arith.muli %add3A, %mul3A_8 : i32
    %mul3A_10 = arith.constant 2 : i32
    %mul3A_11 = arith.muli %mul3A_9, %mul3A_10 : i32
    "tpu.region"() ({
      %run_scoped3A = tpu.sem_alloc : memref<!tpu.dma_semaphore, #tpu.memory_space<semaphore_mem>>
      %dma_start3A = tpu.memref_slice %arg4[%mul3A_11] : memref<32768xi32, #tpu.memory_space<hbm>> -> memref<1024xi32, #tpu.memory_space<hbm>>
      %dma_start3A_12 = tpu.memref_slice %arg4[%mul3A_11] : memref<32768xi32, #tpu.memory_space<hbm>> -> memref<1024xi32, #tpu.memory_space<hbm>>
      tpu.enqueue_dma source(%arg7 : memref<1024xi32, #tpu.memory_space<vmem>>) target(%dma_start3A_12 : memref<1024xi32, #tpu.memory_space<hbm>>) target_semaphore(%run_scoped3A : memref<!tpu.dma_semaphore, #tpu.memory_space<semaphore_mem>>)
      %dma_wait3A = tpu.memref_slice %arg4[%mul3A_11] : memref<32768xi32, #tpu.memory_space<hbm>> -> memref<1024xi32, #tpu.memory_space<hbm>>
      %dma_wait3A_13 = tpu.memref_slice %arg4[%mul3A_11] : memref<32768xi32, #tpu.memory_space<hbm>> -> memref<1024xi32, #tpu.memory_space<hbm>>
      tpu.wait_dma2 semaphore(%run_scoped3A : memref<!tpu.dma_semaphore, #tpu.memory_space<semaphore_mem>>) src(%arg7 : memref<1024xi32, #tpu.memory_space<vmem>>) dst(%dma_wait3A_13 : memref<1024xi32, #tpu.memory_space<hbm>>)
      tpu.yield
    }) : () -> ()
    return
  }
}

module attributes {stable_mosaic.version = 14 : i64} {
  func.func @_logits_block(%arg0: i32, %arg1: memref<4096x768xf32, #tpu.memory_space<vmem>>, %arg2: memref<768x8xf32, #tpu.memory_space<vmem>>, %arg3: memref<1x8xf32, #tpu.memory_space<vmem>>, %arg4: memref<4096x8xf32, #tpu.memory_space<vmem>>) attributes {dimension_semantics = [#tpu.dimension_semantics<arbitrary>], iteration_bounds = array<i64: 4>, scalar_prefetch = 0 : i64, scratch_operands = 0 : i64, tpu.core_type = #tpu.core_type<tc>, window_params = [{transform_indices = @transform_0, window_bounds = array<i64: 4096, 768>}, {pipeline_mode = #tpu.pipeline_mode<synchronous>, transform_indices = @transform_1, window_bounds = array<i64: 768, 8>}, {pipeline_mode = #tpu.pipeline_mode<synchronous>, transform_indices = @transform_2, window_bounds = array<i64: 1, 8>}, {transform_indices = @transform_3, window_bounds = array<i64: 4096, 8>}]} {
    %get3A = arith.constant 0 : index
    %get3A_0 = arith.constant 0 : index
    %get3A_1 = vector.load %arg1[%get3A, %get3A_0] : memref<4096x768xf32, #tpu.memory_space<vmem>>, vector<4096x768xf32>
    %get3A_2 = arith.constant 0 : index
    %get3A_3 = arith.constant 0 : index
    %get3A_4 = vector.load %arg2[%get3A_2, %get3A_3] : memref<768x8xf32, #tpu.memory_space<vmem>>, vector<768x8xf32>
    %dot_general3A = arith.constant dense<0.000000e+00> : vector<4096x8xf32>
    %dot_general3A_5 = tpu.matmul %get3A_1, %get3A_4, %dot_general3A {dimension_numbers = #tpu.dot_dimension_numbers<[1], [0], [0], [1], [0, 0, 1, 1], [], []>, transpose_lhs_hint = false} : vector<4096x768xf32>, vector<768x8xf32>, vector<4096x8xf32> -> vector<4096x8xf32>
    %get3A_6 = arith.constant 0 : index
    %get3A_7 = arith.constant 0 : index
    %get3A_8 = vector.load %arg3[%get3A_6, %get3A_7] : memref<1x8xf32, #tpu.memory_space<vmem>>, vector<1x8xf32>
    %add3A = vector.broadcast %get3A_8 : vector<1x8xf32> to vector<4096x8xf32>
    %add3A_9 = arith.addf %dot_general3A_5, %add3A : vector<4096x8xf32>
    %swap3A = arith.constant 0 : index
    %swap3A_10 = arith.constant 0 : index
    %swap3A_11 = vector.load %arg4[%swap3A, %swap3A_10] : memref<4096x8xf32, #tpu.memory_space<vmem>>, vector<4096x8xf32>
    tpu.vector_store %arg4[%swap3A, %swap3A_10], %add3A_9 {strides = array<i32>} : memref<4096x8xf32, #tpu.memory_space<vmem>>, vector<4096x8xf32>,
    return
  }
  func.func @transform_0(%arg0: i32) -> (i32, i32) {
    %c0_i32 = arith.constant 0 : i32
    %c0_i32_0 = arith.constant 0 : i32
    return %arg0, %c0_i32 : i32, i32
  }
  func.func @transform_1(%arg0: i32) -> (i32, i32) {
    %c0_i32 = arith.constant 0 : i32
    %c0_i32_0 = arith.constant 0 : i32
    %c0_i32_1 = arith.constant 0 : i32
    return %c0_i32, %c0_i32_0 : i32, i32
  }
  func.func @transform_2(%arg0: i32) -> (i32, i32) {
    %c0_i32 = arith.constant 0 : i32
    %c0_i32_0 = arith.constant 0 : i32
    %c0_i32_1 = arith.constant 0 : i32
    return %c0_i32, %c0_i32_0 : i32, i32
  }
  func.func @transform_3(%arg0: i32) -> (i32, i32) {
    %c0_i32 = arith.constant 0 : i32
    %c0_i32_0 = arith.constant 0 : i32
    return %arg0, %c0_i32 : i32, i32
  }
}

</mosaic_0001>

<sc_bundles>
// kernel: kernel.6.cloned.1.call-start
scs
__scs_entry_jumppad:
0x0: {  	(pc) =	sbr.rel $0x88, $3  }
0x1: {  	(tag) =	ssettag $0x0;
	lr =	simm.s32 $0x1  }
0x2: {  	[smem:$0x3F9E] =	sst lr;
	_ =	strace $0xD0000000  }
0x3: {  	_ = 	snop  }
0x4: {  	_ = 	snop  }
0x5: {  	_ = 	snop  }
0x6: {  	_ = 	snop  }
0x7: {  	_ = 	snop  }
__scs_overlays_trampoline_lowered:
0x8: {  	[smem:$0x3FAD] =	sst s0  }
0x9: {  	[smem:$0x3FAE] =	sst s1  }
0xa: {  	[smem:$0x3FAF] =	sst s2  }
0xb: {  	[smem:$0x3FB0] =	sst s3  }
0xc: {  	[smem:$0x3FB1] =	sst s4  }
0xd: {  	[smem:$0x3FB2] =	sst s5  }
0xe: {  	[smem:$0x3FB3] =	sst s6  }
0xf: {  	[smem:$0x3FB4] =	sst s7  }
0x10: {  	[smem:$0x3FB5] =	sst s8  }
0x11: {  	[smem:$0x3FB6] =	sst s9;
	s0 =	simm.s32 @!p0 $0x0  }
0x12: {  	s1 =	sld [smem:$0x3F9C];
	s0 =	simm.s32 @p0 $0x1  }
0x13: {  	[smem:$0x3FB7] =	sst s0;
	s0 =	simm.s32 @!p1 $0x0  }
0x14: {  	s2 =	sld [smem:$0x3F9B];
	s0 =	simm.s32 @p1 $0x1  }
0x15: {  	[smem:$0x3FB8] =	sst s0;
	s0 =	simm.s32 @!p2 $0x0  }
0x16: {  	s3 =	sld [smem:$0x3FDB];
	s0 =	simm.s32 @p2 $0x1  }
0x17: {  	s4 =	simm.s32 $0x1BF5;
	[smem:$0x3FBA] =	sst s0  }
0x18: {  	s0 =	sld [smem:$0x3F9D];
	_ =	swait.ge [sflag:s4], $0x0  }
0x19: {  	s7 =	sld [smem:$0x3F9E]  }
0x1a: {  	s8 =	sadd.s32 $0xFFFFE003, lr  }
0x1b: {  	s9 =	sadd.s32 $0xFFFFFEF7, lr;
	s5 =	simm.s32 $0xFFFFFFFF;
	p2 =	slt.u32 s8, $0xFFFFF086  }
0x1c: {  	p1 =	slt.u32 s9, $0xF7A;
	s5 =	simm.s32 @!p2 $0x0  }
0x1d: {  	s5 =	simm.s32 @p1 $0x1;
	p0 =	seq.s32 s7, s2  }
0x1e: {  	s7 =	smul.u32 @!p0 $0xF7A, s2;
	p2 =	seq.s32 @!p0 s5, $0x0  }
0x1f: {  	s9 =	smul.u32 $0xF7A, s1;
	s8 =	simm.s32 @!p0 $0x1BF5;
	p2 =	por !p2, p0  }
0x20: {  	[sflag:s8] =	ssyncset.s32 @!p0 $0xFFFFF086;
	s6 =	sadd.s32 @!p0 s3, s7;
	s7 =	simm.s32 @!p0 $0x108  }
0x21: {  	s3 =	sadd.s32 s3, s9;
	s6 =	sadd.s32 @!p0 $0x88, s6;
	s7 =	simm.s32 @p2 $0x1082  }
0x22: {  	[simem:s7], [sflag:s8] =	dma.local @!p0 [hbm:s6], $0xF7A  }
0x23: {  	s9 =	sor.u32 $0xD0000000, s2;
	s6 =	simm.s32 $0x108;
	_ =	swait.ge @!p0 [sflag:s8], $0x0  }
0x24: {  	s3 =	sadd.s32 $0x88, s3;
	s6 =	simm.s32 @!p1 $0x1082;
	[sflag:s4] =	ssyncset.s32 $0xFFFFF086  }
0x25: {  	[simem:s6], [sflag:s4] =	dma.local [hbm:s3], $0xF7A  }
0x26: {  	[smem:$0x3F9E] =	sst s1;
	(tag) =	ssettag s2;
	_ =	strace s9  }
0x27: {  	s1 =	sld [smem:$0x3FAE]  }
0x28: {  	s2 =	sld [smem:$0x3FAF]  }
0x29: {  	s4 =	sld [smem:$0x3FB1]  }
0x2a: {  	p0 =	seq.s32 s5, $0x0;
	s5 =	sld [smem:$0x3FB2]  }
0x2b: {  	s6 =	sld [smem:$0x3FB3]  }
0x2c: {  	s7 =	sld [smem:$0x3FB4]  }
0x2d: {  	s3 =	simm.s32 $0x108;
	s8 =	sld [smem:$0x3FB5]  }
0x2e: {  	s3 =	simm.s32 @!p0 $0x1082;
	s9 =	sld [smem:$0x3FB6]  }
0x2f: {  	lr =	sadd.s32 s0, s3;
	s0 =	sld [smem:$0x3FAD]  }
0x30: {  	s3 =	sld [smem:$0x3FB0]  }
0x31: {  	[smem:$0x3FB9] =	sst s10  }
0x32: {  	s10 =	sld [smem:$0x3FB7];
	_ =	sdelay $0x3  }
0x33: {  	p0 =	seq.s32 s10, $0x1;
	s10 =	sld [smem:$0x3FB9];
	_ =	sdelay $0x3  }
0x34: {  	[smem:$0x3FB9] =	sst s10  }
0x35: {  	s10 =	sld [smem:$0x3FB8];
	_ =	sdelay $0x3  }
0x36: {  	p1 =	seq.s32 s10, $0x1;
	s10 =	sld [smem:$0x3FB9];
	_ =	sdelay $0x3  }
0x37: {  	[smem:$0x3FB9] =	sst s10  }
0x38: {  	s10 =	sld [smem:$0x3FBA]  }
0x39: {  	_ = 	snop;
	(pc) =	sbr.ind lr, $3  }
0x3a: {  	_ = 	snop  }
0x3b: {  	_ = 	snop  }
0x3c: {  	p2 =	seq.s32 s10, $0x1;
	s10 =	sld [smem:$0x3FB9]  }
0x3d: {  	_ =	shalt  }
0x3e: {  	_ =	shalt  }
0x3f: {  	_ =	shalt  }
0x40: {  	_ =	shalt  }
0x41: {  	_ =	shalt  }
0x42: {  	_ =	shalt  }
0x43: {  	_ =	shalt  }
0x44: {  	_ =	shalt  }
0x45: {  	_ =	shalt  }
0x46: {  	_ =	shalt  }
0x47: {  	_ =	shalt  }
0x48: {  	_ =	shalt  }
0x49: {  	_ =	shalt  }
0x4a: {  	_ =	shalt  }
0x4b: {  	_ =	shalt  }
0x4c: {  	_ =	shalt  }
0x4d: {  	_ =	shalt  }
0x4e: {  	_ =	shalt  }
0x4f: {  	_ =	shalt  }
0x50: {  	_ =	shalt  }
0x51: {  	_ =	shalt  }
0x52: {  	_ =	shalt  }
0x53: {  	_ =	shalt  }
0x54: {  	_ =	shalt  }
0x55: {  	_ =	shalt  }
0x56: {  	_ =	shalt  }
0x57: {  	_ =	shalt  }
0x58: {  	_ =	shalt  }
0x59: {  	_ =	shalt  }
0x5a: {  	_ =	shalt  }
0x5b: {  	_ =	shalt  }
0x5c: {  	_ =	shalt  }
0x5d: {  	_ =	shalt  }
0x5e: {  	_ =	shalt  }
0x5f: {  	_ =	shalt  }
0x60: {  	_ =	shalt  }
0x61: {  	_ =	shalt  }
0x62: {  	_ =	shalt  }
0x63: {  	_ =	shalt  }
0x64: {  	_ =	shalt  }
0x65: {  	_ =	shalt  }
0x66: {  	_ =	shalt  }
0x67: {  	_ =	shalt  }
0x68: {  	_ =	shalt  }
0x69: {  	_ =	shalt  }
0x6a: {  	_ =	shalt  }
0x6b: {  	_ =	shalt  }
0x6c: {  	_ =	shalt  }
0x6d: {  	_ =	shalt  }
0x6e: {  	_ =	shalt  }
0x6f: {  	_ =	shalt  }
0x70: {  	_ =	shalt  }
0x71: {  	_ =	shalt  }
0x72: {  	_ =	shalt  }
0x73: {  	_ =	shalt  }
0x74: {  	_ =	shalt  }
0x75: {  	_ =	shalt  }
0x76: {  	_ =	shalt  }
0x77: {  	_ =	shalt  }
0x78: {  	_ =	shalt  }
0x79: {  	_ =	shalt  }
0x7a: {  	_ =	shalt  }
0x7b: {  	_ =	shalt  }
0x7c: {  	_ =	shalt  }
0x7d: {  	_ =	shalt  }
0x7e: {  	_ =	shalt  }
0x7f: {  	_ =	shalt  }
0x80: {  	_ =	shalt  }
0x81: {  	_ =	shalt  }
0x82: {  	_ =	shalt  }
0x83: {  	_ =	shalt  }
0x84: {  	_ =	shalt  }
0x85: {  	_ =	shalt  }
0x86: {  	_ =	shalt  }
0x87: {  	_ =	shalt  }
.Lfunc_end0:
.L_simem_size_0:
called_computation_lowered:
.L_overlay_start_0:
0x88: {  	s2 =	sld [smem:$0x3FD9]  }
0x89: {  	s3 =	sld [smem:$0x3FFE];
	_ =	sdelay $0x1  }
0x8a: {  	s1 =	srdreg.scid  }
0x8b: {  	s0 =	sand.u32 $0x1, s1  }
0x8c: {  	s15 =	sshll.u32 s0, $0xA;
	s2 =	sadd.s32 s3, s2  }
0x8d: {  	s2 =	sadd.s32 s2, s15  }
0x8e: {  	[smem:$0x3FC5] =	sst s2  }
0x8f: {  	_ = 	snop  }
0x90: {  	s2 =	sld [smem:$0x3FD0];
	_ =	sdelay $0x2  }
0x91: {  	s16 =	simm.s32 $0xB;
	s4 =	simm.s32 $0x10  }
0x92: {  	[smem:s4], [sflag:s16] =	dma.local [hbm:s2], $0x1  }
0x93: {  	_ =	swait.eq [sflag:s16], $0x1  }
0x94: {  	[sflag:s16] =	ssyncset.done $0x0  }
0x95: {  	[sflag:s16] =	ssyncadd.s32 $0xFFFFFFFF  }
0x96: {  	s17 =	sld [smem:$0x11];
	(tm) =	ssettm $0x1  }
0x97: {  	s18 =	sld [smem:$0x3FFB];
	_ =	sdelay $0x3  }
0x98: {  	_ =	strace s18  }
0x99: {  	s2 =	sld [smem:$0x3FFC];
	_ =	sdelay $0x3  }
0x9a: {  	_ =	strace s2  }
0x9b: {  	s2 =	sld [smem:$0x3FFD];
	_ =	sdelay $0x3  }
0x9c: {  	_ =	strace s2  }
0x9d: {  	_ =	strace $0x8FFFFFFF  }
0x9e: {  	s19 =	sld [smem:$0x3FDB];
	_ =	sdelay $0x1  }
0x9f: {  	s20 =	simm.s32 $_scs_section_size  }
0xa0: {  	s5 =	simm.s32 $_size__tile_overlayer_lowered;
	s6 =	simm.s32 $_tile_overlayer_lowered  }
0xa1: {  	s7 =	simm.s32 $0x1BFF;
	s21 =	sshll.u32 s6, $0x1;
	s4 =	sadd.s32 s20, s19  }
0xa2: {  	s22 =	simm.s32 $0x0;
	s5 =	sshll.u32 s5, $0x1;
	s6 =	sadd.s32 s21, s4  }
0xa3: {  	[timem:s22], [sflag:s7] =	dma.local [hbm:s6], s5  }
0xa4: {  	_ =	swait.ge [sflag:s7], s5  }
0xa5: {  	s5 =	ssub.s32 $0x0, s5;
	[sflag:s7] =	ssyncset.done $0x0  }
0xa6: {  	[sflag:s7] =	ssyncadd.s32 s5;
	_ =	sdelay $0x1  }
0xa7: {  	s23 =	simm.s32 $0x1B8B  }
0xa8: {  	_ =	swait.ge [sflag:s23], $0x1  }
0xa9: {  	[sflag:s23] =	ssyncset.done $0x0  }
0xaa: {  	[sflag:s23] =	ssyncadd.s32 $0xFFFFFFFF  }
0xab: {  	s5 =	sld [smem:$0x0]  }
0xac: {  	s6 =	sand.u32 $0xFFFFFFFE, s1  }
0xad: {  	p0 =	sne.s32 s1, s6  }
0xae: {  	s6 =	sshll.u32 @p0 s6, $0xE  }
0xaf: {  	s6 =	sadd.s32 @p0 $0x11B8D, s6;
	s7 =	sshll.u32 @p0 s5, $0x11  }
0xb0: {  	s6 =	sor.u32 @p0 s7, s6  }
0xb1: {  	[sflag:s6] =	ssyncadd.remote.s32 @p0 $0x1;
	_ =	sdelay $0x1  }
0xb2: {  	s6 =	simm.s32 @p0 $0x1B8D  }
0xb3: {  	_ =	swait.eq @p0 [sflag:s6], $0x1  }
0xb4: {  	[sflag:s6] =	ssyncadd.s32 @p0 $0xFFFFFFFF  }
0xb5: {  	s7 =	sshll.u32 @!p0 s1, $0xE  }
0xb6: {  	s7 =	sor.u32 @!p0 $0x4000, s7;
	s6 =	simm.s32 @!p0 $0x1B8D  }
0xb7: {  	s5 =	sshll.u32 @!p0 s5, $0x11;
	s7 =	sadd.s32 @!p0 $0x11B8D, s7;
	_ =	swait.eq @!p0 [sflag:s6], $0x1  }
0xb8: {  	s5 =	sor.u32 @!p0 s5, s7;
	[sflag:s6] =	ssyncadd.s32 @!p0 $0xFFFFFFFF  }
0xb9: {  	s25 =	simm.s32 $0x1B8E;
	s24 =	sld [smem:$0x3FFE];
	[sflag:s5] =	ssyncadd.remote.s32 @!p0 $0x1  }
0xba: {  	s26 =	simm.s32 $execute0_lowered;
	[smem:$0x3FD2] =	sst s25  }
0xbb: {  	s6 =	sshll.u32 s26, $0x1;
	_ =	strace $0x80000049;
	[dreg:$0x1] =	wrdreg $0xFFFFFFFF  }
0xbc: {  	s28 =	simm.s32 $_size_execute0_lowered;
	s4 =	sadd.s32 s4, s6;
	[dreg:$0x0] =	wrdreg $0x0  }
0xbd: {  	s6 =	sshll.u32 s28, $0x1;
	[dreg:$0x2] =	wrdreg s4  }
0xbe: {  	[dreg:$0x3] =	wrdreg s6  }
0xbf: {  	[dreg:$0x4] =	wrdreg $0xC0  }
0xc0: {  	_ =	task [dreg:s22], $0x5FFFF  }
0xc1: {  	[dreg:$0x1] =	wrdreg $0xFFFFFFFF  }
0xc2: {  	[dreg:$0x0] =	wrdreg $0x60  }
0xc3: {  	[dreg:$0x2] =	wrdreg s24  }
0xc4: {  	[dreg:$0x3] =	wrdreg s17  }
0xc5: {  	[dreg:$0x4] =	wrdreg $0x9  }
0xc6: {  	_ =	task.clear_ibuf [dreg:s22], $0x5FFFF;
	_ =	strace $0x90000049  }
0xc7: {  	s29 =	simm.s32 $0x9;
	_ =	strace $0x8000004B  }
0xc8: {  	_ =	swait.ge [sflag:s29], $0x1  }
0xc9: {  	[sflag:s29] =	ssyncadd.s32 $0xFFFFFFFF  }
0xca: {  	_ =	strace $0x9000004B  }
0xcb: {  	_ =	sfence  }
0xcc: {  	s30 =	sld [smem:$0x0];
	_ =	sdelay $0x2  }
0xcd: {  	s31 =	sshll.u32 s1, $0xD;
	s1 =	sshrl.u32 s1, $0x2  }
0xce: {  	s4 =	sand.u32 $0x4000, s31;
	s1 =	sadd.s32 s1, s30  }
0xcf: {  	s0 =	sor.u32 s4, s0;
	s1 =	sshll.u32 s1, $0x11  }
0xd0: {  	s0 =	sor.u32 s1, s0  }
0xd1: {  	s0 =	sadd.s32 $0x8F2B, s0  }
0xd2: {  	[sflag:s0] =	ssyncadd.remote.s32 $0x1  }
0xd3: {  	_ =	sfence.sel $0xFFFF  }
0xd4: {  	[dreg:$0x0] =	wrdreg $0xFFFFFFFF;
	(pc) =	sbr.abs _section_cstart, $3  }
0xd5: {  	[dreg:$0x1] =	wrdreg $0xFFFFFFFF  }
0xd6: {  	_ =	task.clear_ibuf [dreg:s22], $0x2FFFF;
	_ =	strace $0x9FFFFFFF  }
0xd7: {  	(tm) =	ssettm $0x7FFFFFFF  }
tec
execute0_lowered:
.L_overlay_start_1:
0x0: {  	(tag) =	ssettag $0x1  }
0x1: {  	s3 =	rddreg [dreg:$0x0]  }
0x2: {  	s5 =	rddreg [dreg:$0x1]  }
0x3: {  	s2 =	srdreg.scid;
	s1 =	stileid.u32  }
0x4: {  	s0 =	rddreg [dreg:$0x2];
	s9 =	simm.s32 $0x2000;
	s10 =	simm.s32 $0x0  }
0x5: {  	v3 =	vlaneseq.u32;
	s4 =	sand.u32 $0x1, s2;
	s6 =	sshll.u32 s1, $0x1;
	s2 =	simm.s32 $0x0  }
0x6: {  	v0 =	vmul.u32 $0x8, v3;
	s6 =	sor.u32 s4, s6;
	s4 =	ssub.s32 $0x2, s4;
	[smem:$0x7FF] =	sst s2  }
0x7: {  	s7 =	sshll.u32 s6, $0x9;
	s8 =	sshrl.u32 s4, $0x1;
	_ =	strace $0x8000004A  }
0x8: {  	v3 =	vmul.u32 $0x2, v3;
	s6 =	sshll.u32 s6, $0x7;
	v1 =	vor.u32 $0x1, v0;
	v2 =	vor.u32 $0x2, v0;
	s7 =	sadd.s32 s7, s3;
	s8 =	ssub.s32 s4, s8  }
0x9: {  	v4 =	vor.u32 $0x3, v0;
	v5 =	vor.u32 $0x4, v0;
	v6 =	vor.u32 $0x5, v0;
	s5 =	sadd.s32 s5, s6;
	s3 =	sadd.s32 $0x6600, s7;
	s4 =	sadd.s32 $0xA600, s7  }
0xa: {  	v7 =	vor.u32 $0x6, v0;
	v8 =	vor.u32 $0x7, v0;
	v9 =	vor.u32 $0x1, v3;
	s6 =	smax.u32 s8, $0x1;
	s7 =	simm.s32 $0x1;
	s8 =	simm.s32 $0x1000  }
.LBB2_1:
0xb: {  	v10 =	vor.u32 s2, v2  }
0xc: {  	[tilespmem:s2], [sflag:$0x1] =	stream.linear.gather [hbm4b:s3+s2], $0x1000, $0x38;
	v11 =	vor.u32 s2, v1;
	[tilespmem:$0x2400] =	vst v63  }
0xd: {  	v12 =	vor.u32 s2, v0;
	_ =	swait.ge [sflag:s7], $0x1000  }
0xe: {  	v13 =	vor.u32 s2, v4;
	[sflag:s7] =	ssyncset.done $0x0  }
0xf: {  	v14 =	vor.u32 s2, v5;
	[sflag:s7] =	ssyncadd.s32 $0xFFFFF000  }
0x10: {  	v16 =	vor.u32 s2, v6;
	v15 =	vld.idx.msk [tilespmem:v10+s2+$0x0], $0xffff  }
0x11: {  	v18 =	vor.u32 s2, v7;
	v17 =	vld.idx.msk [tilespmem:v11+s2+$0x0], $0xffff  }
0x12: {  	v19 =	vld.idx.msk [tilespmem:v12+s2+$0x0], $0xffff  }
0x13: {  	v21 =	vor.u32 s2, v8;
	v20 =	vld.idx.msk [tilespmem:v13+s2+$0x0], $0xffff  }
0x14: {  	v22 =	vld.idx.msk [tilespmem:v14+s2+$0x0], $0xffff  }
0x15: {  	v23 =	vld.idx.msk [tilespmem:v16+s2+$0x0], $0xffff  }
0x16: {  	v24 =	vld.idx.msk [tilespmem:v18+s2+$0x0], $0xffff;
	v17 =	vand.u32 $0xFFFFFFF8, v17  }
0x17: {  	v15 =	vand.u32 $0xFFFFFFF8, v15;
	v19 =	vor.u32 $0x7, v19;
	v17 =	vor.u32 $0x6, v17  }
0x18: {  	v25 =	vld.idx.msk [tilespmem:v21+s2+$0x0], $0xffff;
	v20 =	vand.u32 $0xFFFFFFF8, v20;
	v15 =	vor.u32 $0x5, v15;
	v26 =	vmax.f32 v19, v17  }
0x19: {  	v22 =	vand.u32 $0xFFFFFFF8, v22;
	v20 =	vor.u32 $0x4, v20;
	v26 =	vmax.f32 v26, v15  }
0x1a: {  	v23 =	vand.u32 $0xFFFFFFF8, v23;
	v22 =	vor.u32 $0x3, v22;
	v26 =	vmax.f32 v26, v20  }
0x1b: {  	v24 =	vand.u32 $0xFFFFFFF8, v24;
	v23 =	vor.u32 $0x2, v23;
	v26 =	vmax.f32 v26, v22  }
0x1c: {  	v24 =	vor.u32 $0x1, v24;
	v26 =	vmax.f32 v26, v23  }
0x1d: {  	v25 =	vand.u32 $0xFFFFFFF8, v25;
	v26 =	vmax.f32 v26, v24  }
0x1e: {  	v26 =	vmax.f32 v26, v25  }
0x1f: {  	vm3 =	veq.f32 v26, v17  }
0x20: {  	v27 =	vsel vm3, $0xFF800000, v17  }
0x21: {  	vm7 =	veq.f32 v26, v19;
	v28 =	vmax.f32 v19, v27  }
0x22: {  	v27 =	vsel vm7, v27, v28  }
0x23: {  	vm6 =	veq.f32 v26, v15;
	v28 =	vmax.f32 v27, v15  }
0x24: {  	v27 =	vsel vm6, v27, v28  }
0x25: {  	vm4 =	veq.f32 v26, v20;
	v28 =	vmax.f32 v27, v20  }
0x26: {  	v27 =	vsel vm4, v27, v28  }
0x27: {  	vm5 =	veq.f32 v26, v22;
	v28 =	vmax.f32 v27, v22  }
0x28: {  	v27 =	vsel vm5, v27, v28  }
0x29: {  	vm1 =	veq.f32 v26, v23;
	v28 =	vmax.f32 v27, v23  }
0x2a: {  	v27 =	vsel vm1, v27, v28  }
0x2b: {  	vm2 =	veq.f32 v26, v24;
	v28 =	vmax.f32 v27, v24  }
0x2c: {  	v27 =	vsel vm2, v27, v28  }
0x2d: {  	vm0 =	veq.f32 v26, v25;
	v28 =	vmax.f32 v27, v25  }
0x2e: {  	v27 =	vsel vm0, v27, v28  }
0x2f: {  	v62 =	vand.u32 $0xFFFFFFF8, v26;
	v29 =	vand.u32 $0xFFFFFFF8, v27  }
0x30: {  	v28 =	vsub.f32 v29, v62;
	_ =	sdelay $0x1  }
0x31: {  	v28 =	vmul.f32 $1.442695020e+00, v28;
	_ =	sdelay $0x1  }
0x32: {  	(erf) = vpow2.f32 v28;
	_ =	sdelay $0x8  }
0x33: {  	v28 =	vpop (erf)  }
0x34: {  	v63 =	vadd.f32 $1.000000000e+00, v28;
	_ =	sdelay $0x1  }
0x35: {  	(erf) = vrcp.f32 v63;
	_ =	sdelay $0x8  }
0x36: {  	v29 =	vpop (erf)  }
0x37: {  	v28 =	vmul.f32 v29, v28  }
0x38: {  	vm8 =	veq.f32 v27, v19  }
0x39: {  	vm9 =	veq.f32 v27, v17;
	vm10 =	veq.f32 v27, v15;
	v15 =	vnsel vm8, $0x0, v28  }
0x3a: {  	vm15 =	veq.f32 v27, v20;
	v17 =	vnsel vm9, $0x0, v28;
	v15 =	vsel vm7, v29, v15  }
0x3b: {  	vm12 =	veq.f32 v27, v22;
	v19 =	vnsel vm10, $0x0, v28;
	v17 =	vsel vm3, v29, v17;
	[tilespmem:v12+s8+$0x0] =	vst.idx.msk $0xffff, v15  }
0x3c: {  	vm13 =	veq.f32 v27, v23;
	v12 =	vsel vm6, v29, v19;
	v15 =	vnsel vm15, $0x0, v28;
	[tilespmem:v11+s8+$0x0] =	vst.idx.msk $0xffff, v17  }
0x3d: {  	vm14 =	veq.f32 v27, v24;
	v11 =	vnsel vm12, $0x0, v28;
	v15 =	vsel vm4, v29, v15;
	[tilespmem:v10+s8+$0x0] =	vst.idx.msk $0xffff, v12  }
0x3e: {  	v10 =	vnsel vm13, $0x0, v28;
	v11 =	vsel vm5, v29, v11;
	[tilespmem:v13+s8+$0x0] =	vst.idx.msk $0xffff, v15;
	v15 =	vor.u32 s2, v3  }
0x3f: {  	vm15 =	veq.f32 v27, v25;
	v12 =	vnsel vm14, $0x0, v28;
	v10 =	vsel vm1, v29, v10;
	[tilespmem:v14+s8+$0x0] =	vst.idx.msk $0xffff, v11  }
0x40: {  	s12 =	simm.s32 $0x80;
	v19 =	vor.u32 s2, v9;
	v11 =	vsel vm2, v29, v12;
	v12 =	vnsel vm15, $0x0, v28;
	[tilespmem:v16+s8+$0x0] =	vst.idx.msk $0xffff, v10  }
0x41: {  	v12 =	vsel vm0, v29, v12;
	[tilespmem:v18+s8+$0x0] =	vst.idx.msk $0xffff, v11;
	v11 =	vor.u32 s12, v2  }
0x42: {  	v13 =	vor.u32 s12, v1;
	v14 =	vor.u32 s12, v0;
	v16 =	vandn.u32 $0x7, v26;
	[tilespmem:v21+s8+$0x0] =	vst.idx.msk $0xffff, v12  }
0x43: {  	s13 =	simm.s32 $0x100;
	s11 =	simm.s32 $0x0;
	v10 =	vor.u32 s12, v5;
	v12 =	vor.u32 s12, v4;
	[tilespmem:v15+s9+$0x0] =	vst.idx.msk $0xffff, v16;
	v16 =	vandn.u32 $0x7, v27  }
.LBB2_2:
0x44: {  	p0 =	sne.s32 s13, $0xF80  }
0x45: {  	v15 =	vor.u32 s13, v5;
	[tilespmem:v19+s9+$0x0] =	vst.idx.msk $0xffff, v16;
	s11 =	sadd.s32 $0x20, s11;
	s14 =	smov.u32 s13;
	s13 =	sadd.s32 $0x80, s13  }
0x46: {  	v16 =	vor.u32 s12, v6;
	v19 =	vld.idx.msk [tilespmem:v11+s2+$0x0], $0xffff  }
0x47: {  	v17 =	vor.u32 s12, v7;
	v20 =	vld.idx.msk [tilespmem:v13+s2+$0x0], $0xffff  }
0x48: {  	v21 =	vld.idx.msk [tilespmem:v14+s2+$0x0], $0xffff  }
0x49: {  	v18 =	vor.u32 s12, v8;
	s12 =	smov.u32 s14;
	v22 =	vld.idx.msk [tilespmem:v12+s2+$0x0], $0xffff  }
0x4a: {  	v23 =	vld.idx.msk [tilespmem:v10+s2+$0x0], $0xffff  }
0x4b: {  	v24 =	vld.idx.msk [tilespmem:v16+s2+$0x0], $0xffff  }
0x4c: {  	v19 =	vand.u32 $0xFFFFFFF8, v19;
	v25 =	vld.idx.msk [tilespmem:v17+s2+$0x0], $0xffff  }
0x4d: {  	v20 =	vand.u32 $0xFFFFFFF8, v20  }
0x4e: {  	v21 =	vor.u32 $0x7, v21;
	v20 =	vor.u32 $0x6, v20;
	v26 =	vld.idx.msk [tilespmem:v18+s2+$0x0], $0xffff  }
0x4f: {  	v19 =	vor.u32 $0x5, v19;
	v22 =	vand.u32 $0xFFFFFFF8, v22;
	v27 =	vmax.f32 v21, v20  }
0x50: {  	v22 =	vor.u32 $0x4, v22;
	v23 =	vand.u32 $0xFFFFFFF8, v23;
	v27 =	vmax.f32 v27, v19  }
0x51: {  	v23 =	vor.u32 $0x3, v23;
	v24 =	vand.u32 $0xFFFFFFF8, v24;
	v27 =	vmax.f32 v27, v22  }
0x52: {  	v24 =	vor.u32 $0x2, v24;
	v25 =	vand.u32 $0xFFFFFFF8, v25;
	v27 =	vmax.f32 v27, v23  }
0x53: {  	v25 =	vor.u32 $0x1, v25;
	v27 =	vmax.f32 v27, v24  }
0x54: {  	v26 =	vand.u32 $0xFFFFFFF8, v26;
	v27 =	vmax.f32 v27, v25  }
0x55: {  	v27 =	vmax.f32 v27, v26  }
0x56: {  	vm0 =	veq.f32 v27, v20  }
0x57: {  	v28 =	vsel vm0, $0xFF800000, v20  }
0x58: {  	vm1 =	veq.f32 v27, v21;
	v29 =	vmax.f32 v21, v28  }
0x59: {  	v28 =	vsel vm1, v28, v29  }
0x5a: {  	vm3 =	veq.f32 v27, v19;
	v29 =	vmax.f32 v28, v19  }
0x5b: {  	v28 =	vsel vm3, v28, v29  }
0x5c: {  	vm2 =	veq.f32 v27, v22;
	v29 =	vmax.f32 v28, v22  }
0x5d: {  	v28 =	vsel vm2, v28, v29  }
0x5e: {  	vm4 =	veq.f32 v27, v23;
	v29 =	vmax.f32 v28, v23  }
0x5f: {  	v28 =	vsel vm4, v28, v29  }
0x60: {  	vm5 =	veq.f32 v27, v24;
	v29 =	vmax.f32 v28, v24  }
0x61: {  	v28 =	vsel vm5, v28, v29  }
0x62: {  	vm6 =	veq.f32 v27, v25;
	v29 =	vmax.f32 v28, v25  }
0x63: {  	v28 =	vsel vm6, v28, v29  }
0x64: {  	vm7 =	veq.f32 v27, v26;
	v29 =	vmax.f32 v28, v26  }
0x65: {  	v28 =	vsel vm7, v28, v29  }
0x66: {  	v29 =	vand.u32 $0xFFFFFFF8, v27;
	v30 =	vand.u32 $0xFFFFFFF8, v28;
	vm13 =	veq.f32 v28, v21  }
0x67: {  	vm14 =	veq.f32 v28, v20;
	vm15 =	veq.f32 v28, v19;
	v21 =	vsub.f32 v30, v29  }
0x68: {  	vm10 =	veq.f32 v28, v22;
	vm11 =	veq.f32 v28, v23;
	vm12 =	veq.f32 v28, v24  }
0x69: {  	vm9 =	veq.f32 v28, v25;
	vm8 =	veq.f32 v28, v26;
	v19 =	vmul.f32 $1.442695020e+00, v21;
	_ =	sdelay $0x1  }
0x6a: {  	(erf) = vpow2.f32 v19;
	_ =	sdelay $0x8  }
0x6b: {  	v19 =	vpop (erf)  }
0x6c: {  	v20 =	vadd.f32 $1.000000000e+00, v19;
	_ =	sdelay $0x1  }
0x6d: {  	(erf) = vrcp.f32 v20;
	_ =	sdelay $0x8  }
0x6e: {  	v20 =	vpop (erf)  }
0x6f: {  	v19 =	vmul.f32 v20, v19;
	_ =	sdelay $0x1  }
0x70: {  	v21 =	vnsel vm13, $0x0, v19;
	v22 =	vnsel vm14, $0x0, v19;
	v23 =	vnsel vm15, $0x0, v19  }
0x71: {  	v21 =	vsel vm1, v20, v21;
	v22 =	vsel vm0, v20, v22;
	v23 =	vsel vm3, v20, v23  }
0x72: {  	v24 =	vnsel vm12, $0x0, v19;
	[tilespmem:v14+s8+$0x0] =	vst.idx.msk $0xffff, v21;
	v14 =	vnsel vm10, $0x0, v19;
	v21 =	vnsel vm11, $0x0, v19  }
0x73: {  	[tilespmem:v13+s8+$0x0] =	vst.idx.msk $0xffff, v22;
	v13 =	vsel vm2, v20, v14;
	v14 =	vsel vm4, v20, v21;
	v21 =	vnsel vm9, $0x0, v19  }
0x74: {  	v22 =	vsel vm5, v20, v24;
	[tilespmem:v11+s8+$0x0] =	vst.idx.msk $0xffff, v23;
	v21 =	vsel vm6, v20, v21;
	v11 =	vnsel vm8, $0x0, v19  }
0x75: {  	[tilespmem:v12+s8+$0x0] =	vst.idx.msk $0xffff, v13;
	v12 =	vsel vm7, v20, v11;
	v20 =	vor.u32 s11, v3  }
.Ltmp0:
0x76: {  	v19 =	vor.u32 s11, v9;
	[tilespmem:v10+s8+$0x0] =	vst.idx.msk $0xffff, v14;
	v10 =	vmov v15;
	(pc) =	sbr.rel @p0 .LBB2_2-.Ltmp0, $4  }
0x77: {  	v11 =	vor.u32 s12, v2;
	[tilespmem:v16+s8+$0x0] =	vst.idx.msk $0xffff, v22  }
0x78: {  	v13 =	vor.u32 s12, v1;
	[tilespmem:v17+s8+$0x0] =	vst.idx.msk $0xffff, v21  }
0x79: {  	v14 =	vor.u32 s12, v0;
	v15 =	vandn.u32 $0x7, v27;
	[tilespmem:v18+s8+$0x0] =	vst.idx.msk $0xffff, v12  }
0x7a: {  	v16 =	vandn.u32 $0x7, v28;
	v12 =	vor.u32 s12, v4;
	[tilespmem:v20+s9+$0x0] =	vst.idx.msk $0xffff, v15  }
0x7b: {  	_ =	sdelay $0x3  }
0x7c: {  	[tilespmem:v19+s9+$0x0] =	vst.idx.msk $0xffff, v16  }
0x7d: {  	v52 =	vor.u32 s12, v6;
	v15 =	vld.idx.msk [tilespmem:v11+s2+$0x0], $0xffff  }
0x7e: {  	v18 =	vor.u32 s12, v7;
	v17 =	vld.idx.msk [tilespmem:v13+s2+$0x0], $0xffff  }
0x7f: {  	v19 =	vld.idx.msk [tilespmem:v14+s2+$0x0], $0xffff  }
0x80: {  	v21 =	vor.u32 s12, v8;
	v20 =	vld.idx.msk [tilespmem:v12+s2+$0x0], $0xffff  }
0x81: {  	v22 =	vld.idx.msk [tilespmem:v10+s2+$0x0], $0xffff  }
0x82: {  	v23 =	vld.idx.msk [tilespmem:v52+s2+$0x0], $0xffff  }
0x83: {  	v24 =	vld.idx.msk [tilespmem:v18+s2+$0x0], $0xffff;
	v17 =	vand.u32 $0xFFFFFFF8, v17  }
0x84: {  	v15 =	vand.u32 $0xFFFFFFF8, v15;
	v19 =	vor.u32 $0x7, v19;
	v17 =	vor.u32 $0x6, v17  }
0x85: {  	v25 =	vld.idx.msk [tilespmem:v21+s2+$0x0], $0xffff;
	v20 =	vand.u32 $0xFFFFFFF8, v20;
	v15 =	vor.u32 $0x5, v15;
	v26 =	vmax.f32 v19, v17  }
0x86: {  	v22 =	vand.u32 $0xFFFFFFF8, v22;
	v20 =	vor.u32 $0x4, v20;
	v26 =	vmax.f32 v26, v15  }
0x87: {  	v22 =	vor.u32 $0x3, v22;
	v23 =	vand.u32 $0xFFFFFFF8, v23;
	v26 =	vmax.f32 v26, v20  }
0x88: {  	v24 =	vand.u32 $0xFFFFFFF8, v24;
	v23 =	vor.u32 $0x2, v23;
	v26 =	vmax.f32 v26, v22  }
0x89: {  	v24 =	vor.u32 $0x1, v24;
	v26 =	vmax.f32 v26, v23  }
0x8a: {  	v25 =	vand.u32 $0xFFFFFFF8, v25;
	v26 =	vmax.f32 v26, v24  }
0x8b: {  	v26 =	vmax.f32 v26, v25  }
0x8c: {  	vm5 =	veq.f32 v26, v17  }
0x8d: {  	v27 =	vsel vm5, $0xFF800000, v17  }
0x8e: {  	vm7 =	veq.f32 v26, v19;
	v28 =	vmax.f32 v19, v27  }
0x8f: {  	v27 =	vsel vm7, v27, v28  }
0x90: {  	vm6 =	veq.f32 v26, v15;
	v28 =	vmax.f32 v27, v15  }
0x91: {  	v27 =	vsel vm6, v27, v28  }
0x92: {  	vm3 =	veq.f32 v26, v20;
	v28 =	vmax.f32 v27, v20  }
0x93: {  	v27 =	vsel vm3, v27, v28  }
0x94: {  	vm4 =	veq.f32 v26, v22;
	v28 =	vmax.f32 v27, v22  }
0x95: {  	v27 =	vsel vm4, v27, v28  }
0x96: {  	vm0 =	veq.f32 v26, v23;
	v28 =	vmax.f32 v27, v23  }
0x97: {  	v27 =	vsel vm0, v27, v28  }
0x98: {  	vm1 =	veq.f32 v26, v24;
	v28 =	vmax.f32 v27, v24  }
0x99: {  	v27 =	vsel vm1, v27, v28  }
0x9a: {  	vm2 =	veq.f32 v26, v25;
	v28 =	vmax.f32 v27, v25  }
0x9b: {  	v27 =	vsel vm2, v27, v28  }
0x9c: {  	v53 =	vand.u32 $0xFFFFFFF8, v26;
	v29 =	vand.u32 $0xFFFFFFF8, v27  }
0x9d: {  	v28 =	vsub.f32 v29, v53;
	_ =	sdelay $0x1  }
0x9e: {  	v28 =	vmul.f32 $1.442695020e+00, v28;
	_ =	sdelay $0x1  }
0x9f: {  	(erf) = vpow2.f32 v28;
	_ =	sdelay $0x8  }
0xa0: {  	v28 =	vpop (erf)  }
0xa1: {  	v54 =	vadd.f32 $1.000000000e+00, v28;
	_ =	sdelay $0x1  }
0xa2: {  	(erf) = vrcp.f32 v54;
	_ =	sdelay $0x8  }
0xa3: {  	v29 =	vpop (erf)  }
0xa4: {  	s11 =	sadd.s32 $0x20, s11;
	v28 =	vmul.f32 v29, v28  }
0xa5: {  	v60 =	vor.u32 s11, v3;
	vm8 =	veq.f32 v27, v19  }
0xa6: {  	vm9 =	veq.f32 v27, v17;
	vm10 =	veq.f32 v27, v15;
	v55 =	vnsel vm8, $0x0, v28  }
0xa7: {  	vm11 =	veq.f32 v27, v20;
	v17 =	vnsel vm9, $0x0, v28;
	v15 =	vsel vm7, v29, v55  }
0xa8: {  	vm12 =	veq.f32 v27, v22;
	v56 =	vnsel vm10, $0x0, v28;
	v17 =	vsel vm5, v29, v17;
	[tilespmem:v14+s8+$0x0] =	vst.idx.msk $0xffff, v15  }
0xa9: {  	vm13 =	veq.f32 v27, v23;
	v58 =	vnsel vm11, $0x0, v28;
	v57 =	vsel vm6, v29, v56;
	[tilespmem:v13+s8+$0x0] =	vst.idx.msk $0xffff, v17  }
0xaa: {  	vm14 =	veq.f32 v27, v24;
	v59 =	vnsel vm12, $0x0, v28;
	v15 =	vsel vm3, v29, v58;
	[tilespmem:v11+s8+$0x0] =	vst.idx.msk $0xffff, v57  }
0xab: {  	vm15 =	veq.f32 v27, v25;
	v13 =	vsel vm4, v29, v59;
	v11 =	vnsel vm13, $0x0, v28;
	[tilespmem:v12+s8+$0x0] =	vst.idx.msk $0xffff, v15  }
0xac: {  	v61 =	vnsel vm14, $0x0, v28;
	v11 =	vsel vm0, v29, v11;
	[tilespmem:v10+s8+$0x0] =	vst.idx.msk $0xffff, v13;
	v10 =	vor.u32 s11, v9  }
0xad: {  	v63 =	vnsel vm15, $0x0, v28;
	v62 =	vsel vm1, v29, v61;
	[tilespmem:v52+s8+$0x0] =	vst.idx.msk $0xffff, v11  }
0xae: {  	v11 =	vsel vm2, v29, v63;
	[tilespmem:v18+s8+$0x0] =	vst.idx.msk $0xffff, v62  }
0xaf: {  	[tilespmem:v21+s8+$0x0] =	vst.idx.msk $0xffff, v11;
	v11 =	vandn.u32 $0x7, v26  }
0xb0: {  	[tilespmem:v60+s9+$0x0] =	vst.idx.msk $0xffff, v11;
	v11 =	vandn.u32 $0x7, v27  }
0xb1: {  	[tilespmem:v10+s9+$0x0] =	vst.idx.msk $0xffff, v11  }
0xb2: {  	[hbm4b:s4+s2] =	stream.linear.scatter [tilespmem:s8], [sflag:$0x1], $0x1000, $0x38;
	[tilespmem:$0x2400] =	vst v63  }
0xb3: {  	s10 =	sadd.s32 $0x1, s10;
	_ =	swait.ge [sflag:s7], $0x1000  }
0xb4: {  	p0 =	sne.s32 s10, s6;
	[sflag:s7] =	ssyncset.done $0x0  }
.Ltmp1:
0xb5: {  	[sflag:s7] =	ssyncadd.s32 $0xFFFFF000;
	(pc) =	sbr.rel @p0 .LBB2_1-.Ltmp1, $4  }
0xb6: {  	[hbm4b:s5+s2] =	stream.linear.scatter [tilespmem:s9], [sflag:$0x1], $0x400, $0x38;
	[tilespmem:$0x2400] =	vst v63  }
0xb7: {  	_ =	swait.ge [sflag:s7], $0x400  }
0xb8: {  	[sflag:s7] =	ssyncset.done $0x0  }
0xb9: {  	[sflag:s7] =	ssyncadd.s32 $0xFFFFFC00  }
0xba: {  	_ =	sfence.sel $0x180000  }
0xbb: {  	[bflag:$0x0] =	sbarrier.arrive $0xFFFF  }
0xbc: {  	p0 =	sne.s32 s1, $0x0;
	_ =	strace $0x9000004A  }
0xbd: {  	s0 =	sadd.s32 @!p0 $0x100000, s0;
	[bflag:$0x2] =	sbarrier.arrive $0xFFFF  }
0xbe: {  	[sflag:s0] =	ssyncadd.tile.s32 @!p0 $0x1;
	_ =	shalt  }
.Lfunc_end2:
_tile_overlayer_lowered:
.L_overlay_start_2:
0xbf: {  	(tag) =	ssettag $0x2  }
0xc0: {  	s0 =	rddreg [dreg:$0x0];
	s2 =	stileid.u32  }
0xc1: {  	s1 =	rddreg [dreg:$0x1];
	p0 =	sne.s32 s2, $0x0  }
0xc2: {  	s3 =	rddreg [dreg:$0x2];
	[bflag:$0x3] =	sbarrier.arrive $0xFFFF;
	s2 =	simm.s32 @!p0 $0x1C01  }
0xc3: {  	[timem:s3], [sflag:s2] =	dma.local @!p0 [hbm:s0], s1  }
0xc4: {  	s0 =	simm.s32 @!p0 $0x1  }
0xc5: {  	_ =	swait.ge @!p0 [sflag:s0], s1  }
0xc6: {  	s1 =	ssub.s32 @!p0 $0x0, s1;
	[sflag:s0] =	ssyncset.done @!p0 $0x0  }
0xc7: {  	[sflag:s0] =	ssyncadd.s32 @!p0 s1  }
0xc8: {  	[bflag:$0x3] =	sbarrier.arrive $0xFFFF  }
0xc9: {  	_ =	shalt  }

// kernel: kernel.9.cloned.1.call-start
scs
__scs_entry_jumppad:
0x0: {  	(pc) =	sbr.rel $0x88, $3  }
0x1: {  	(tag) =	ssettag $0x0;
	lr =	simm.s32 $0x1  }
0x2: {  	[smem:$0x3F9E] =	sst lr;
	_ =	strace $0xD0000000  }
0x3: {  	_ = 	snop  }
0x4: {  	_ = 	snop  }
0x5: {  	_ = 	snop  }
0x6: {  	_ = 	snop  }
0x7: {  	_ = 	snop  }
__scs_overlays_trampoline_lowered:
0x8: {  	[smem:$0x3FAD] =	sst s0  }
0x9: {  	[smem:$0x3FAE] =	sst s1  }
0xa: {  	[smem:$0x3FAF] =	sst s2  }
0xb: {  	[smem:$0x3FB0] =	sst s3  }
0xc: {  	[smem:$0x3FB1] =	sst s4  }
0xd: {  	[smem:$0x3FB2] =	sst s5  }
0xe: {  	[smem:$0x3FB3] =	sst s6  }
0xf: {  	[smem:$0x3FB4] =	sst s7  }
0x10: {  	[smem:$0x3FB5] =	sst s8  }
0x11: {  	[smem:$0x3FB6] =	sst s9;
	s0 =	simm.s32 @!p0 $0x0  }
0x12: {  	s1 =	sld [smem:$0x3F9C];
	s0 =	simm.s32 @p0 $0x1  }
0x13: {  	[smem:$0x3FB7] =	sst s0;
	s0 =	simm.s32 @!p1 $0x0  }
0x14: {  	s2 =	sld [smem:$0x3F9B];
	s0 =	simm.s32 @p1 $0x1  }
0x15: {  	[smem:$0x3FB8] =	sst s0;
	s0 =	simm.s32 @!p2 $0x0  }
0x16: {  	s3 =	sld [smem:$0x3FDB];
	s0 =	simm.s32 @p2 $0x1  }
0x17: {  	s4 =	simm.s32 $0x1BF5;
	[smem:$0x3FBA] =	sst s0  }
0x18: {  	s0 =	sld [smem:$0x3F9D];
	_ =	swait.ge [sflag:s4], $0x0  }
0x19: {  	s7 =	sld [smem:$0x3F9E]  }
0x1a: {  	s8 =	sadd.s32 $0xFFFFE003, lr  }
0x1b: {  	s9 =	sadd.s32 $0xFFFFFEF7, lr;
	s5 =	simm.s32 $0xFFFFFFFF;
	p2 =	slt.u32 s8, $0xFFFFF086  }
0x1c: {  	p1 =	slt.u32 s9, $0xF7A;
	s5 =	simm.s32 @!p2 $0x0  }
0x1d: {  	s5 =	simm.s32 @p1 $0x1;
	p0 =	seq.s32 s7, s2  }
0x1e: {  	s7 =	smul.u32 @!p0 $0xF7A, s2;
	p2 =	seq.s32 @!p0 s5, $0x0  }
0x1f: {  	s9 =	smul.u32 $0xF7A, s1;
	s8 =	simm.s32 @!p0 $0x1BF5;
	p2 =	por !p2, p0  }
0x20: {  	[sflag:s8] =	ssyncset.s32 @!p0 $0xFFFFF086;
	s6 =	sadd.s32 @!p0 s3, s7;
	s7 =	simm.s32 @!p0 $0x108  }
0x21: {  	s3 =	sadd.s32 s3, s9;
	s6 =	sadd.s32 @!p0 $0x88, s6;
	s7 =	simm.s32 @p2 $0x1082  }
0x22: {  	[simem:s7], [sflag:s8] =	dma.local @!p0 [hbm:s6], $0xF7A  }
0x23: {  	s9 =	sor.u32 $0xD0000000, s2;
	s6 =	simm.s32 $0x108;
	_ =	swait.ge @!p0 [sflag:s8], $0x0  }
0x24: {  	s3 =	sadd.s32 $0x88, s3;
	s6 =	simm.s32 @!p1 $0x1082;
	[sflag:s4] =	ssyncset.s32 $0xFFFFF086  }
0x25: {  	[simem:s6], [sflag:s4] =	dma.local [hbm:s3], $0xF7A  }
0x26: {  	[smem:$0x3F9E] =	sst s1;
	(tag) =	ssettag s2;
	_ =	strace s9  }
0x27: {  	s1 =	sld [smem:$0x3FAE]  }
0x28: {  	s2 =	sld [smem:$0x3FAF]  }
0x29: {  	s4 =	sld [smem:$0x3FB1]  }
0x2a: {  	p0 =	seq.s32 s5, $0x0;
	s5 =	sld [smem:$0x3FB2]  }
0x2b: {  	s6 =	sld [smem:$0x3FB3]  }
0x2c: {  	s7 =	sld [smem:$0x3FB4]  }
0x2d: {  	s3 =	simm.s32 $0x108;
	s8 =	sld [smem:$0x3FB5]  }
0x2e: {  	s3 =	simm.s32 @!p0 $0x1082;
	s9 =	sld [smem:$0x3FB6]  }
0x2f: {  	lr =	sadd.s32 s0, s3;
	s0 =	sld [smem:$0x3FAD]  }
0x30: {  	s3 =	sld [smem:$0x3FB0]  }
0x31: {  	[smem:$0x3FB9] =	sst s10  }
0x32: {  	s10 =	sld [smem:$0x3FB7];
	_ =	sdelay $0x3  }
0x33: {  	p0 =	seq.s32 s10, $0x1;
	s10 =	sld [smem:$0x3FB9];
	_ =	sdelay $0x3  }
0x34: {  	[smem:$0x3FB9] =	sst s10  }
0x35: {  	s10 =	sld [smem:$0x3FB8];
	_ =	sdelay $0x3  }
0x36: {  	p1 =	seq.s32 s10, $0x1;
	s10 =	sld [smem:$0x3FB9];
	_ =	sdelay $0x3  }
0x37: {  	[smem:$0x3FB9] =	sst s10  }
0x38: {  	s10 =	sld [smem:$0x3FBA]  }
0x39: {  	_ = 	snop;
	(pc) =	sbr.ind lr, $3  }
0x3a: {  	_ = 	snop  }
0x3b: {  	_ = 	snop  }
0x3c: {  	p2 =	seq.s32 s10, $0x1;
	s10 =	sld [smem:$0x3FB9]  }
0x3d: {  	_ =	shalt  }
0x3e: {  	_ =	shalt  }
0x3f: {  	_ =	shalt  }
0x40: {  	_ =	shalt  }
0x41: {  	_ =	shalt  }
0x42: {  	_ =	shalt  }
0x43: {  	_ =	shalt  }
0x44: {  	_ =	shalt  }
0x45: {  	_ =	shalt  }
0x46: {  	_ =	shalt  }
0x47: {  	_ =	shalt  }
0x48: {  	_ =	shalt  }
0x49: {  	_ =	shalt  }
0x4a: {  	_ =	shalt  }
0x4b: {  	_ =	shalt  }
0x4c: {  	_ =	shalt  }
0x4d: {  	_ =	shalt  }
0x4e: {  	_ =	shalt  }
0x4f: {  	_ =	shalt  }
0x50: {  	_ =	shalt  }
0x51: {  	_ =	shalt  }
0x52: {  	_ =	shalt  }
0x53: {  	_ =	shalt  }
0x54: {  	_ =	shalt  }
0x55: {  	_ =	shalt  }
0x56: {  	_ =	shalt  }
0x57: {  	_ =	shalt  }
0x58: {  	_ =	shalt  }
0x59: {  	_ =	shalt  }
0x5a: {  	_ =	shalt  }
0x5b: {  	_ =	shalt  }
0x5c: {  	_ =	shalt  }
0x5d: {  	_ =	shalt  }
0x5e: {  	_ =	shalt  }
0x5f: {  	_ =	shalt  }
0x60: {  	_ =	shalt  }
0x61: {  	_ =	shalt  }
0x62: {  	_ =	shalt  }
0x63: {  	_ =	shalt  }
0x64: {  	_ =	shalt  }
0x65: {  	_ =	shalt  }
0x66: {  	_ =	shalt  }
0x67: {  	_ =	shalt  }
0x68: {  	_ =	shalt  }
0x69: {  	_ =	shalt  }
0x6a: {  	_ =	shalt  }
0x6b: {  	_ =	shalt  }
0x6c: {  	_ =	shalt  }
0x6d: {  	_ =	shalt  }
0x6e: {  	_ =	shalt  }
0x6f: {  	_ =	shalt  }
0x70: {  	_ =	shalt  }
0x71: {  	_ =	shalt  }
0x72: {  	_ =	shalt  }
0x73: {  	_ =	shalt  }
0x74: {  	_ =	shalt  }
0x75: {  	_ =	shalt  }
0x76: {  	_ =	shalt  }
0x77: {  	_ =	shalt  }
0x78: {  	_ =	shalt  }
0x79: {  	_ =	shalt  }
0x7a: {  	_ =	shalt  }
0x7b: {  	_ =	shalt  }
0x7c: {  	_ =	shalt  }
0x7d: {  	_ =	shalt  }
0x7e: {  	_ =	shalt  }
0x7f: {  	_ =	shalt  }
0x80: {  	_ =	shalt  }
0x81: {  	_ =	shalt  }
0x82: {  	_ =	shalt  }
0x83: {  	_ =	shalt  }
0x84: {  	_ =	shalt  }
0x85: {  	_ =	shalt  }
0x86: {  	_ =	shalt  }
0x87: {  	_ =	shalt  }
.Lfunc_end0:
.L_simem_size_0:
called_computation.1_lowered:
.L_overlay_start_0:
0x88: {  	s2 =	sld [smem:$0x3FD9]  }
0x89: {  	s3 =	sld [smem:$0x3FFE];
	_ =	sdelay $0x1  }
0x8a: {  	s1 =	srdreg.scid  }
0x8b: {  	s0 =	sand.u32 $0x1, s1  }
0x8c: {  	s14 =	sshll.u32 s0, $0xA;
	s2 =	sadd.s32 s3, s2  }
0x8d: {  	s2 =	sadd.s32 s2, s14  }
0x8e: {  	[smem:$0x3FC5] =	sst s2  }
0x8f: {  	_ = 	snop  }
0x90: {  	s2 =	sld [smem:$0x3FD0];
	_ =	sdelay $0x2  }
0x91: {  	s15 =	simm.s32 $0xB;
	s4 =	simm.s32 $0x10  }
0x92: {  	[smem:s4], [sflag:s15] =	dma.local [hbm:s2], $0x1  }
0x93: {  	_ =	swait.eq [sflag:s15], $0x1  }
0x94: {  	[sflag:s15] =	ssyncset.done $0x0  }
0x95: {  	[sflag:s15] =	ssyncadd.s32 $0xFFFFFFFF  }
0x96: {  	s16 =	sld [smem:$0x10];
	(tm) =	ssettm $0x1  }
0x97: {  	s17 =	sld [smem:$0x3FFB];
	_ =	sdelay $0x3  }
0x98: {  	_ =	strace s17  }
0x99: {  	s3 =	sld [smem:$0x3FFC];
	_ =	sdelay $0x3  }
0x9a: {  	_ =	strace s3  }
0x9b: {  	s3 =	sld [smem:$0x3FFD];
	_ =	sdelay $0x3  }
0x9c: {  	_ =	strace s3  }
0x9d: {  	_ =	strace $0x8FFFFFFF  }
0x9e: {  	s18 =	sld [smem:$0x3FDB];
	_ =	sdelay $0x1  }
0x9f: {  	s19 =	simm.s32 $_scs_section_size  }
0xa0: {  	s5 =	simm.s32 $_size__tile_overlayer_lowered;
	s6 =	simm.s32 $_tile_overlayer_lowered  }
0xa1: {  	s22 =	simm.s32 $0x1BFF;
	s21 =	sshll.u32 s6, $0x1;
	s3 =	sadd.s32 s19, s18  }
0xa2: {  	s7 =	simm.s32 $0x0;
	s20 =	sshll.u32 s5, $0x1;
	s5 =	sadd.s32 s21, s3  }
0xa3: {  	[timem:s7], [sflag:s22] =	dma.local [hbm:s5], s20  }
0xa4: {  	_ =	swait.ge [sflag:s22], s20  }
0xa5: {  	s4 =	ssub.s32 $0x0, s20;
	[sflag:s22] =	ssyncset.done $0x0  }
0xa6: {  	[sflag:s22] =	ssyncadd.s32 s4;
	_ =	sdelay $0x1  }
0xa7: {  	s23 =	simm.s32 $0x1B8B  }
0xa8: {  	_ =	swait.ge [sflag:s23], $0x1  }
0xa9: {  	[sflag:s23] =	ssyncset.done $0x0  }
0xaa: {  	s25 =	simm.s32 $0x1B8E;
	s24 =	sld [smem:$0x3FFE];
	[sflag:s23] =	ssyncadd.s32 $0xFFFFFFFF  }
0xab: {  	s26 =	simm.s32 $execute0_lowered;
	[smem:$0x3FD2] =	sst s25  }
0xac: {  	s5 =	sshll.u32 s26, $0x1;
	_ =	strace $0x80000046;
	[dreg:$0x1] =	wrdreg $0xFFFFFFFF  }
0xad: {  	s28 =	simm.s32 $_size_execute0_lowered;
	s3 =	sadd.s32 s3, s5;
	[dreg:$0x0] =	wrdreg $0x0  }
0xae: {  	s5 =	sshll.u32 s28, $0x1;
	[dreg:$0x2] =	wrdreg s3  }
0xaf: {  	[dreg:$0x3] =	wrdreg s5  }
0xb0: {  	[dreg:$0x4] =	wrdreg $0xC0  }
0xb1: {  	_ =	task [dreg:s7], $0x5FFFF  }
0xb2: {  	[dreg:$0x1] =	wrdreg $0xFFFFFFFF  }
0xb3: {  	[dreg:$0x0] =	wrdreg $0x60  }
0xb4: {  	[dreg:$0x2] =	wrdreg s16  }
0xb5: {  	[dreg:$0x3] =	wrdreg s24  }
0xb6: {  	[dreg:$0x4] =	wrdreg $0xA  }
0xb7: {  	_ =	task.clear_ibuf [dreg:s7], $0x5FFFF;
	_ =	strace $0x90000046  }
0xb8: {  	s29 =	simm.s32 $0xA;
	_ =	strace $0x80000048  }
0xb9: {  	_ =	swait.ge [sflag:s29], $0x1  }
0xba: {  	[sflag:s29] =	ssyncadd.s32 $0xFFFFFFFF  }
0xbb: {  	_ =	strace $0x90000048  }
0xbc: {  	_ =	sfence  }
0xbd: {  	s30 =	sld [smem:$0x0];
	_ =	sdelay $0x2  }
0xbe: {  	s31 =	sshll.u32 s1, $0xD;
	s1 =	sshrl.u32 s1, $0x2  }
0xbf: {  	s3 =	sand.u32 $0x4000, s31;
	s1 =	sadd.s32 s1, s30  }
0xc0: {  	s0 =	sor.u32 s3, s0;
	s1 =	sshll.u32 s1, $0x11  }
0xc1: {  	s0 =	sor.u32 s1, s0  }
0xc2: {  	s0 =	sadd.s32 $0x8F2B, s0  }
0xc3: {  	[sflag:s0] =	ssyncadd.remote.s32 $0x1  }
0xc4: {  	_ =	sfence.sel $0xFFFF  }
0xc5: {  	[dreg:$0x0] =	wrdreg $0xFFFFFFFF;
	(pc) =	sbr.abs _section_cstart, $3  }
0xc6: {  	[dreg:$0x1] =	wrdreg $0xFFFFFFFF  }
0xc7: {  	_ =	task.clear_ibuf [dreg:s7], $0x2FFFF;
	_ =	strace $0x9FFFFFFF  }
0xc8: {  	(tm) =	ssettm $0x7FFFFFFF  }
0xc9: {  	_ =	shalt  }
tec
execute0_lowered:
.L_overlay_start_1:
0x0: {  	(tag) =	ssettag $0x1  }
0x1: {  	s3 =	rddreg [dreg:$0x0]  }
0x2: {  	s4 =	rddreg [dreg:$0x1]  }
0x3: {  	s0 =	rddreg [dreg:$0x2]  }
0x4: {  	s5 =	srdreg.scid;
	s1 =	stileid.u32  }
0x5: {  	s2 =	simm.s32 $0x0;
	s5 =	sand.u32 $0x1, s5;
	s6 =	sshll.u32 s1, $0x1  }
0x6: {  	v3 =	vlaneseq.u32;
	s10 =	simm.s32 $0x0;
	[smem:$0x7FF] =	sst s2;
	s6 =	sor.u32 s5, s6  }
0x7: {  	v0 =	vmul.u32 $0x8, v3;
	_ =	strace $0x80000047;
	s5 =	ssub.s32 $0x2, s5;
	s7 =	sshll.u32 s6, $0x9  }
0x8: {  	s6 =	sshll.u32 s6, $0x7;
	s31 =	sshrl.u32 s5, $0x1;
	s8 =	sadd.s32 s7, s4  }
0x9: {  	v3 =	vmul.u32 $0x2, v3;
	v1 =	vor.u32 $0x1, v0;
	v2 =	vor.u32 $0x2, v0;
	s6 =	sadd.s32 s6, s4;
	s9 =	ssub.s32 s5, s31;
	s3 =	sadd.s32 s3, s7  }
0xa: {  	v4 =	vor.u32 $0x3, v0;
	v5 =	vor.u32 $0x4, v0;
	v6 =	vor.u32 $0x5, v0;
	s7 =	simm.s32 $0x1;
	s4 =	sadd.s32 $0x1600, s8;
	s5 =	sadd.s32 $0x5600, s6  }
0xb: {  	v7 =	vor.u32 $0x6, v0;
	v8 =	vor.u32 $0x7, v0;
	v9 =	vor.u32 $0x1, v3;
	s6 =	smax.u32 s9, $0x1;
	s8 =	simm.s32 $0x1000;
	s9 =	simm.s32 $0x2000  }
.LBB2_1:
0xc: {  	v10 =	vor.u32 s2, v2  }
0xd: {  	[tilespmem:s2], [sflag:$0x1] =	stream.linear.gather [hbm4b:s3+s2], $0x1000, $0x38;
	v11 =	vor.u32 s2, v1;
	[tilespmem:$0x2400] =	vst v63  }
0xe: {  	v12 =	vor.u32 s2, v0;
	_ =	swait.ge [sflag:s7], $0x1000  }
0xf: {  	v13 =	vor.u32 s2, v4;
	[sflag:s7] =	ssyncset.done $0x0  }
0x10: {  	v14 =	vor.u32 s2, v5;
	[sflag:s7] =	ssyncadd.s32 $0xFFFFF000  }
0x11: {  	v16 =	vor.u32 s2, v6;
	v15 =	vld.idx.msk [tilespmem:v10+s2+$0x0], $0xffff  }
0x12: {  	v18 =	vor.u32 s2, v7;
	v17 =	vld.idx.msk [tilespmem:v11+s2+$0x0], $0xffff  }
0x13: {  	v19 =	vld.idx.msk [tilespmem:v12+s2+$0x0], $0xffff  }
0x14: {  	v21 =	vor.u32 s2, v8;
	v20 =	vld.idx.msk [tilespmem:v13+s2+$0x0], $0xffff  }
0x15: {  	v22 =	vld.idx.msk [tilespmem:v14+s2+$0x0], $0xffff  }
0x16: {  	v23 =	vld.idx.msk [tilespmem:v16+s2+$0x0], $0xffff  }
0x17: {  	v24 =	vld.idx.msk [tilespmem:v18+s2+$0x0], $0xffff;
	v17 =	vand.u32 $0xFFFFFFF8, v17  }
0x18: {  	v15 =	vand.u32 $0xFFFFFFF8, v15;
	v19 =	vor.u32 $0x7, v19;
	v17 =	vor.u32 $0x6, v17  }
0x19: {  	v25 =	vld.idx.msk [tilespmem:v21+s2+$0x0], $0xffff;
	v20 =	vand.u32 $0xFFFFFFF8, v20;
	v15 =	vor.u32 $0x5, v15;
	v26 =	vmax.f32 v19, v17  }
0x1a: {  	v22 =	vand.u32 $0xFFFFFFF8, v22;
	v20 =	vor.u32 $0x4, v20;
	v26 =	vmax.f32 v26, v15  }
0x1b: {  	v23 =	vand.u32 $0xFFFFFFF8, v23;
	v22 =	vor.u32 $0x3, v22;
	v26 =	vmax.f32 v26, v20  }
0x1c: {  	v24 =	vand.u32 $0xFFFFFFF8, v24;
	v23 =	vor.u32 $0x2, v23;
	v26 =	vmax.f32 v26, v22  }
0x1d: {  	v24 =	vor.u32 $0x1, v24;
	v26 =	vmax.f32 v26, v23  }
0x1e: {  	v25 =	vand.u32 $0xFFFFFFF8, v25;
	v26 =	vmax.f32 v26, v24  }
0x1f: {  	v26 =	vmax.f32 v26, v25  }
0x20: {  	vm3 =	veq.f32 v26, v17  }
0x21: {  	v27 =	vsel vm3, $0xFF800000, v17  }
0x22: {  	vm7 =	veq.f32 v26, v19;
	v28 =	vmax.f32 v19, v27  }
0x23: {  	v27 =	vsel vm7, v27, v28  }
0x24: {  	vm6 =	veq.f32 v26, v15;
	v28 =	vmax.f32 v27, v15  }
0x25: {  	v27 =	vsel vm6, v27, v28  }
0x26: {  	vm4 =	veq.f32 v26, v20;
	v28 =	vmax.f32 v27, v20  }
0x27: {  	v27 =	vsel vm4, v27, v28  }
0x28: {  	vm5 =	veq.f32 v26, v22;
	v28 =	vmax.f32 v27, v22  }
0x29: {  	v27 =	vsel vm5, v27, v28  }
0x2a: {  	vm1 =	veq.f32 v26, v23;
	v28 =	vmax.f32 v27, v23  }
0x2b: {  	v27 =	vsel vm1, v27, v28  }
0x2c: {  	vm2 =	veq.f32 v26, v24;
	v28 =	vmax.f32 v27, v24  }
0x2d: {  	v27 =	vsel vm2, v27, v28  }
0x2e: {  	vm0 =	veq.f32 v26, v25;
	v28 =	vmax.f32 v27, v25  }
0x2f: {  	v27 =	vsel vm0, v27, v28  }
0x30: {  	v62 =	vand.u32 $0xFFFFFFF8, v26;
	v29 =	vand.u32 $0xFFFFFFF8, v27  }
0x31: {  	v28 =	vsub.f32 v29, v62;
	_ =	sdelay $0x1  }
0x32: {  	v28 =	vmul.f32 $1.442695020e+00, v28;
	_ =	sdelay $0x1  }
0x33: {  	(erf) = vpow2.f32 v28;
	_ =	sdelay $0x8  }
0x34: {  	v28 =	vpop (erf)  }
0x35: {  	v63 =	vadd.f32 $1.000000000e+00, v28;
	_ =	sdelay $0x1  }
0x36: {  	(erf) = vrcp.f32 v63;
	_ =	sdelay $0x8  }
0x37: {  	v29 =	vpop (erf)  }
0x38: {  	v28 =	vmul.f32 v29, v28  }
0x39: {  	vm8 =	veq.f32 v27, v19  }
0x3a: {  	vm9 =	veq.f32 v27, v17;
	vm10 =	veq.f32 v27, v15;
	v15 =	vnsel vm8, $0x0, v28  }
0x3b: {  	vm15 =	veq.f32 v27, v20;
	v17 =	vnsel vm9, $0x0, v28;
	v15 =	vsel vm7, v29, v15  }
0x3c: {  	vm12 =	veq.f32 v27, v22;
	v19 =	vnsel vm10, $0x0, v28;
	v17 =	vsel vm3, v29, v17;
	[tilespmem:v12+s8+$0x0] =	vst.idx.msk $0xffff, v15  }
0x3d: {  	vm13 =	veq.f32 v27, v23;
	v12 =	vsel vm6, v29, v19;
	v15 =	vnsel vm15, $0x0, v28;
	[tilespmem:v11+s8+$0x0] =	vst.idx.msk $0xffff, v17  }
0x3e: {  	vm14 =	veq.f32 v27, v24;
	v11 =	vnsel vm12, $0x0, v28;
	v15 =	vsel vm4, v29, v15;
	[tilespmem:v10+s8+$0x0] =	vst.idx.msk $0xffff, v12  }
0x3f: {  	v10 =	vnsel vm13, $0x0, v28;
	v11 =	vsel vm5, v29, v11;
	[tilespmem:v13+s8+$0x0] =	vst.idx.msk $0xffff, v15;
	v15 =	vor.u32 s2, v3  }
0x40: {  	vm15 =	veq.f32 v27, v25;
	v12 =	vnsel vm14, $0x0, v28;
	v10 =	vsel vm1, v29, v10;
	[tilespmem:v14+s8+$0x0] =	vst.idx.msk $0xffff, v11  }
0x41: {  	s12 =	simm.s32 $0x80;
	v19 =	vor.u32 s2, v9;
	v11 =	vsel vm2, v29, v12;
	v12 =	vnsel vm15, $0x0, v28;
	[tilespmem:v16+s8+$0x0] =	vst.idx.msk $0xffff, v10  }
0x42: {  	v12 =	vsel vm0, v29, v12;
	[tilespmem:v18+s8+$0x0] =	vst.idx.msk $0xffff, v11;
	v11 =	vor.u32 s12, v2  }
0x43: {  	v13 =	vor.u32 s12, v1;
	v14 =	vor.u32 s12, v0;
	v16 =	vandn.u32 $0x7, v26;
	[tilespmem:v21+s8+$0x0] =	vst.idx.msk $0xffff, v12  }
0x44: {  	s13 =	simm.s32 $0x100;
	s11 =	simm.s32 $0x0;
	v10 =	vor.u32 s12, v5;
	v12 =	vor.u32 s12, v4;
	[tilespmem:v15+s9+$0x0] =	vst.idx.msk $0xffff, v16;
	v16 =	vandn.u32 $0x7, v27  }
.LBB2_2:
0x45: {  	p0 =	sne.s32 s13, $0xF80  }
0x46: {  	v15 =	vor.u32 s13, v5;
	[tilespmem:v19+s9+$0x0] =	vst.idx.msk $0xffff, v16;
	s11 =	sadd.s32 $0x20, s11;
	s14 =	smov.u32 s13;
	s13 =	sadd.s32 $0x80, s13  }
0x47: {  	v16 =	vor.u32 s12, v6;
	v19 =	vld.idx.msk [tilespmem:v11+s2+$0x0], $0xffff  }
0x48: {  	v17 =	vor.u32 s12, v7;
	v20 =	vld.idx.msk [tilespmem:v13+s2+$0x0], $0xffff  }
0x49: {  	v21 =	vld.idx.msk [tilespmem:v14+s2+$0x0], $0xffff  }
0x4a: {  	v18 =	vor.u32 s12, v8;
	s12 =	smov.u32 s14;
	v22 =	vld.idx.msk [tilespmem:v12+s2+$0x0], $0xffff  }
0x4b: {  	v23 =	vld.idx.msk [tilespmem:v10+s2+$0x0], $0xffff  }
0x4c: {  	v24 =	vld.idx.msk [tilespmem:v16+s2+$0x0], $0xffff  }
0x4d: {  	v19 =	vand.u32 $0xFFFFFFF8, v19;
	v25 =	vld.idx.msk [tilespmem:v17+s2+$0x0], $0xffff  }
0x4e: {  	v20 =	vand.u32 $0xFFFFFFF8, v20  }
0x4f: {  	v21 =	vor.u32 $0x7, v21;
	v20 =	vor.u32 $0x6, v20;
	v26 =	vld.idx.msk [tilespmem:v18+s2+$0x0], $0xffff  }
0x50: {  	v19 =	vor.u32 $0x5, v19;
	v22 =	vand.u32 $0xFFFFFFF8, v22;
	v27 =	vmax.f32 v21, v20  }
0x51: {  	v22 =	vor.u32 $0x4, v22;
	v23 =	vand.u32 $0xFFFFFFF8, v23;
	v27 =	vmax.f32 v27, v19  }
0x52: {  	v23 =	vor.u32 $0x3, v23;
	v24 =	vand.u32 $0xFFFFFFF8, v24;
	v27 =	vmax.f32 v27, v22  }
0x53: {  	v24 =	vor.u32 $0x2, v24;
	v25 =	vand.u32 $0xFFFFFFF8, v25;
	v27 =	vmax.f32 v27, v23  }
0x54: {  	v25 =	vor.u32 $0x1, v25;
	v27 =	vmax.f32 v27, v24  }
0x55: {  	v26 =	vand.u32 $0xFFFFFFF8, v26;
	v27 =	vmax.f32 v27, v25  }
0x56: {  	v27 =	vmax.f32 v27, v26  }
0x57: {  	vm0 =	veq.f32 v27, v20  }
0x58: {  	v28 =	vsel vm0, $0xFF800000, v20  }
0x59: {  	vm1 =	veq.f32 v27, v21;
	v29 =	vmax.f32 v21, v28  }
0x5a: {  	v28 =	vsel vm1, v28, v29  }
0x5b: {  	vm3 =	veq.f32 v27, v19;
	v29 =	vmax.f32 v28, v19  }
0x5c: {  	v28 =	vsel vm3, v28, v29  }
0x5d: {  	vm2 =	veq.f32 v27, v22;
	v29 =	vmax.f32 v28, v22  }
0x5e: {  	v28 =	vsel vm2, v28, v29  }
0x5f: {  	vm4 =	veq.f32 v27, v23;
	v29 =	vmax.f32 v28, v23  }
0x60: {  	v28 =	vsel vm4, v28, v29  }
0x61: {  	vm5 =	veq.f32 v27, v24;
	v29 =	vmax.f32 v28, v24  }
0x62: {  	v28 =	vsel vm5, v28, v29  }
0x63: {  	vm6 =	veq.f32 v27, v25;
	v29 =	vmax.f32 v28, v25  }
0x64: {  	v28 =	vsel vm6, v28, v29  }
0x65: {  	vm7 =	veq.f32 v27, v26;
	v29 =	vmax.f32 v28, v26  }
0x66: {  	v28 =	vsel vm7, v28, v29  }
0x67: {  	v29 =	vand.u32 $0xFFFFFFF8, v27;
	v30 =	vand.u32 $0xFFFFFFF8, v28;
	vm13 =	veq.f32 v28, v21  }
0x68: {  	vm14 =	veq.f32 v28, v20;
	vm15 =	veq.f32 v28, v19;
	v21 =	vsub.f32 v30, v29  }
0x69: {  	vm10 =	veq.f32 v28, v22;
	vm11 =	veq.f32 v28, v23;
	vm12 =	veq.f32 v28, v24  }
0x6a: {  	vm9 =	veq.f32 v28, v25;
	vm8 =	veq.f32 v28, v26;
	v19 =	vmul.f32 $1.442695020e+00, v21;
	_ =	sdelay $0x1  }
0x6b: {  	(erf) = vpow2.f32 v19;
	_ =	sdelay $0x8  }
0x6c: {  	v19 =	vpop (erf)  }
0x6d: {  	v20 =	vadd.f32 $1.000000000e+00, v19;
	_ =	sdelay $0x1  }
0x6e: {  	(erf) = vrcp.f32 v20;
	_ =	sdelay $0x8  }
0x6f: {  	v20 =	vpop (erf)  }
0x70: {  	v19 =	vmul.f32 v20, v19;
	_ =	sdelay $0x1  }
0x71: {  	v21 =	vnsel vm13, $0x0, v19;
	v22 =	vnsel vm14, $0x0, v19;
	v23 =	vnsel vm15, $0x0, v19  }
0x72: {  	v21 =	vsel vm1, v20, v21;
	v22 =	vsel vm0, v20, v22;
	v23 =	vsel vm3, v20, v23  }
0x73: {  	v24 =	vnsel vm12, $0x0, v19;
	[tilespmem:v14+s8+$0x0] =	vst.idx.msk $0xffff, v21;
	v14 =	vnsel vm10, $0x0, v19;
	v21 =	vnsel vm11, $0x0, v19  }
0x74: {  	[tilespmem:v13+s8+$0x0] =	vst.idx.msk $0xffff, v22;
	v13 =	vsel vm2, v20, v14;
	v14 =	vsel vm4, v20, v21;
	v21 =	vnsel vm9, $0x0, v19  }
0x75: {  	v22 =	vsel vm5, v20, v24;
	[tilespmem:v11+s8+$0x0] =	vst.idx.msk $0xffff, v23;
	v21 =	vsel vm6, v20, v21;
	v11 =	vnsel vm8, $0x0, v19  }
0x76: {  	[tilespmem:v12+s8+$0x0] =	vst.idx.msk $0xffff, v13;
	v12 =	vsel vm7, v20, v11;
	v20 =	vor.u32 s11, v3  }
.Ltmp0:
0x77: {  	v19 =	vor.u32 s11, v9;
	[tilespmem:v10+s8+$0x0] =	vst.idx.msk $0xffff, v14;
	v10 =	vmov v15;
	(pc) =	sbr.rel @p0 .LBB2_2-.Ltmp0, $4  }
0x78: {  	v11 =	vor.u32 s12, v2;
	[tilespmem:v16+s8+$0x0] =	vst.idx.msk $0xffff, v22  }
0x79: {  	v13 =	vor.u32 s12, v1;
	[tilespmem:v17+s8+$0x0] =	vst.idx.msk $0xffff, v21  }
0x7a: {  	v14 =	vor.u32 s12, v0;
	v15 =	vandn.u32 $0x7, v27;
	[tilespmem:v18+s8+$0x0] =	vst.idx.msk $0xffff, v12  }
0x7b: {  	v16 =	vandn.u32 $0x7, v28;
	v12 =	vor.u32 s12, v4;
	[tilespmem:v20+s9+$0x0] =	vst.idx.msk $0xffff, v15  }
0x7c: {  	_ =	sdelay $0x3  }
0x7d: {  	[tilespmem:v19+s9+$0x0] =	vst.idx.msk $0xffff, v16  }
0x7e: {  	v52 =	vor.u32 s12, v6;
	v15 =	vld.idx.msk [tilespmem:v11+s2+$0x0], $0xffff  }
0x7f: {  	v18 =	vor.u32 s12, v7;
	v17 =	vld.idx.msk [tilespmem:v13+s2+$0x0], $0xffff  }
0x80: {  	v19 =	vld.idx.msk [tilespmem:v14+s2+$0x0], $0xffff  }
0x81: {  	v21 =	vor.u32 s12, v8;
	v20 =	vld.idx.msk [tilespmem:v12+s2+$0x0], $0xffff  }
0x82: {  	v22 =	vld.idx.msk [tilespmem:v10+s2+$0x0], $0xffff  }
0x83: {  	v23 =	vld.idx.msk [tilespmem:v52+s2+$0x0], $0xffff  }
0x84: {  	v24 =	vld.idx.msk [tilespmem:v18+s2+$0x0], $0xffff;
	v17 =	vand.u32 $0xFFFFFFF8, v17  }
0x85: {  	v15 =	vand.u32 $0xFFFFFFF8, v15;
	v19 =	vor.u32 $0x7, v19;
	v17 =	vor.u32 $0x6, v17  }
0x86: {  	v25 =	vld.idx.msk [tilespmem:v21+s2+$0x0], $0xffff;
	v20 =	vand.u32 $0xFFFFFFF8, v20;
	v15 =	vor.u32 $0x5, v15;
	v26 =	vmax.f32 v19, v17  }
0x87: {  	v22 =	vand.u32 $0xFFFFFFF8, v22;
	v20 =	vor.u32 $0x4, v20;
	v26 =	vmax.f32 v26, v15  }
0x88: {  	v22 =	vor.u32 $0x3, v22;
	v23 =	vand.u32 $0xFFFFFFF8, v23;
	v26 =	vmax.f32 v26, v20  }
0x89: {  	v24 =	vand.u32 $0xFFFFFFF8, v24;
	v23 =	vor.u32 $0x2, v23;
	v26 =	vmax.f32 v26, v22  }
0x8a: {  	v24 =	vor.u32 $0x1, v24;
	v26 =	vmax.f32 v26, v23  }
0x8b: {  	v25 =	vand.u32 $0xFFFFFFF8, v25;
	v26 =	vmax.f32 v26, v24  }
0x8c: {  	v26 =	vmax.f32 v26, v25  }
0x8d: {  	vm5 =	veq.f32 v26, v17  }
0x8e: {  	v27 =	vsel vm5, $0xFF800000, v17  }
0x8f: {  	vm7 =	veq.f32 v26, v19;
	v28 =	vmax.f32 v19, v27  }
0x90: {  	v27 =	vsel vm7, v27, v28  }
0x91: {  	vm6 =	veq.f32 v26, v15;
	v28 =	vmax.f32 v27, v15  }
0x92: {  	v27 =	vsel vm6, v27, v28  }
0x93: {  	vm3 =	veq.f32 v26, v20;
	v28 =	vmax.f32 v27, v20  }
0x94: {  	v27 =	vsel vm3, v27, v28  }
0x95: {  	vm4 =	veq.f32 v26, v22;
	v28 =	vmax.f32 v27, v22  }
0x96: {  	v27 =	vsel vm4, v27, v28  }
0x97: {  	vm0 =	veq.f32 v26, v23;
	v28 =	vmax.f32 v27, v23  }
0x98: {  	v27 =	vsel vm0, v27, v28  }
0x99: {  	vm1 =	veq.f32 v26, v24;
	v28 =	vmax.f32 v27, v24  }
0x9a: {  	v27 =	vsel vm1, v27, v28  }
0x9b: {  	vm2 =	veq.f32 v26, v25;
	v28 =	vmax.f32 v27, v25  }
0x9c: {  	v27 =	vsel vm2, v27, v28  }
0x9d: {  	v53 =	vand.u32 $0xFFFFFFF8, v26;
	v29 =	vand.u32 $0xFFFFFFF8, v27  }
0x9e: {  	v28 =	vsub.f32 v29, v53;
	_ =	sdelay $0x1  }
0x9f: {  	v28 =	vmul.f32 $1.442695020e+00, v28;
	_ =	sdelay $0x1  }
0xa0: {  	(erf) = vpow2.f32 v28;
	_ =	sdelay $0x8  }
0xa1: {  	v28 =	vpop (erf)  }
0xa2: {  	v54 =	vadd.f32 $1.000000000e+00, v28;
	_ =	sdelay $0x1  }
0xa3: {  	(erf) = vrcp.f32 v54;
	_ =	sdelay $0x8  }
0xa4: {  	v29 =	vpop (erf)  }
0xa5: {  	s11 =	sadd.s32 $0x20, s11;
	v28 =	vmul.f32 v29, v28  }
0xa6: {  	v60 =	vor.u32 s11, v3;
	vm8 =	veq.f32 v27, v19  }
0xa7: {  	vm9 =	veq.f32 v27, v17;
	vm10 =	veq.f32 v27, v15;
	v55 =	vnsel vm8, $0x0, v28  }
0xa8: {  	vm11 =	veq.f32 v27, v20;
	v17 =	vnsel vm9, $0x0, v28;
	v15 =	vsel vm7, v29, v55  }
0xa9: {  	vm12 =	veq.f32 v27, v22;
	v56 =	vnsel vm10, $0x0, v28;
	v17 =	vsel vm5, v29, v17;
	[tilespmem:v14+s8+$0x0] =	vst.idx.msk $0xffff, v15  }
0xaa: {  	vm13 =	veq.f32 v27, v23;
	v58 =	vnsel vm11, $0x0, v28;
	v57 =	vsel vm6, v29, v56;
	[tilespmem:v13+s8+$0x0] =	vst.idx.msk $0xffff, v17  }
0xab: {  	vm14 =	veq.f32 v27, v24;
	v59 =	vnsel vm12, $0x0, v28;
	v15 =	vsel vm3, v29, v58;
	[tilespmem:v11+s8+$0x0] =	vst.idx.msk $0xffff, v57  }
0xac: {  	vm15 =	veq.f32 v27, v25;
	v13 =	vsel vm4, v29, v59;
	v11 =	vnsel vm13, $0x0, v28;
	[tilespmem:v12+s8+$0x0] =	vst.idx.msk $0xffff, v15  }
0xad: {  	v61 =	vnsel vm14, $0x0, v28;
	v11 =	vsel vm0, v29, v11;
	[tilespmem:v10+s8+$0x0] =	vst.idx.msk $0xffff, v13;
	v10 =	vor.u32 s11, v9  }
0xae: {  	v63 =	vnsel vm15, $0x0, v28;
	v62 =	vsel vm1, v29, v61;
	[tilespmem:v52+s8+$0x0] =	vst.idx.msk $0xffff, v11  }
0xaf: {  	v11 =	vsel vm2, v29, v63;
	[tilespmem:v18+s8+$0x0] =	vst.idx.msk $0xffff, v62  }
0xb0: {  	[tilespmem:v21+s8+$0x0] =	vst.idx.msk $0xffff, v11;
	v11 =	vandn.u32 $0x7, v26  }
0xb1: {  	[tilespmem:v60+s9+$0x0] =	vst.idx.msk $0xffff, v11;
	v11 =	vandn.u32 $0x7, v27  }
0xb2: {  	[tilespmem:v10+s9+$0x0] =	vst.idx.msk $0xffff, v11  }
0xb3: {  	[hbm4b:s4+s2] =	stream.linear.scatter [tilespmem:s8], [sflag:$0x1], $0x1000, $0x38;
	[tilespmem:$0x2400] =	vst v63  }
0xb4: {  	s10 =	sadd.s32 $0x1, s10;
	_ =	swait.ge [sflag:s7], $0x1000  }
0xb5: {  	p0 =	sne.s32 s10, s6;
	[sflag:s7] =	ssyncset.done $0x0  }
.Ltmp1:
0xb6: {  	[sflag:s7] =	ssyncadd.s32 $0xFFFFF000;
	(pc) =	sbr.rel @p0 .LBB2_1-.Ltmp1, $4  }
0xb7: {  	[hbm4b:s5+s2] =	stream.linear.scatter [tilespmem:s9], [sflag:$0x1], $0x400, $0x38;
	[tilespmem:$0x2400] =	vst v63  }
0xb8: {  	_ =	swait.ge [sflag:s7], $0x400  }
0xb9: {  	[sflag:s7] =	ssyncset.done $0x0  }
0xba: {  	[sflag:s7] =	ssyncadd.s32 $0xFFFFFC00  }
0xbb: {  	_ =	sfence.sel $0x180000  }
0xbc: {  	[bflag:$0x0] =	sbarrier.arrive $0xFFFF  }
0xbd: {  	p0 =	sne.s32 s1, $0x0;
	_ =	strace $0x90000047  }
0xbe: {  	s0 =	sadd.s32 @!p0 $0x100000, s0;
	[bflag:$0x2] =	sbarrier.arrive $0xFFFF  }
0xbf: {  	[sflag:s0] =	ssyncadd.tile.s32 @!p0 $0x1;
	_ =	shalt  }
.Lfunc_end2:
_tile_overlayer_lowered:
.L_overlay_start_2:
0xc0: {  	(tag) =	ssettag $0x2  }
0xc1: {  	s0 =	rddreg [dreg:$0x0];
	s2 =	stileid.u32  }
0xc2: {  	s1 =	rddreg [dreg:$0x1];
	p0 =	sne.s32 s2, $0x0  }
0xc3: {  	s3 =	rddreg [dreg:$0x2];
	[bflag:$0x3] =	sbarrier.arrive $0xFFFF;
	s2 =	simm.s32 @!p0 $0x1C01  }
0xc4: {  	[timem:s3], [sflag:s2] =	dma.local @!p0 [hbm:s0], s1  }
0xc5: {  	s0 =	simm.s32 @!p0 $0x1  }
0xc6: {  	_ =	swait.ge @!p0 [sflag:s0], s1  }
0xc7: {  	s1 =	ssub.s32 @!p0 $0x0, s1;
	[sflag:s0] =	ssyncset.done @!p0 $0x0  }
0xc8: {  	[sflag:s0] =	ssyncadd.s32 @!p0 s1  }
0xc9: {  	[bflag:$0x3] =	sbarrier.arrive $0xFFFF  }
0xca: {  	_ =	shalt  }

</sc_bundles>
